<compile_context>
chip_gen: v7x
topology: tpu7x:2x2x1
jax: 0.10.2.dev20260603
libtpu: 0.0.44.dev20260713+nightly
codegen_flags: <defaults>
</compile_context>

<pallas_src>
import jax
import jax.numpy as jnp
from jax import lax
from jax.experimental import pallas as pl
from jax.experimental.pallas import tpu as pltpu
from jax.experimental.pallas import tpu_sc as plsc

N = 320000
D = 128
S = 10000

NC = 2
NS = 16
NW = NC * NS
ROWS_PER_W = N // NW
SCAT = 80
NOUT = ROWS_PER_W // SCAT
NBUF = 3
NLOOP = NOUT // NBUF
TAIL = NOUT - NLOOP * NBUF
SEG_PER_TILE = 624
REM_START = SEG_PER_TILE * NS
REM = S - REM_START



def _phi_body(x_ref, w1_ref, b1_ref, w2_ref, b2_ref, h_ref):
    xb = x_ref[...].astype(jnp.bfloat16)
    u = jnp.maximum(
        jnp.dot(xb, w1_ref[...], preferred_element_type=jnp.float32)
        + b1_ref[...], 0.0)
    h_ref[...] = (
        jnp.dot(u.astype(jnp.bfloat16), w2_ref[...],
                preferred_element_type=jnp.float32)
        + b2_ref[...])


def _phi(x, W1, b1, W2, b2, block=16000):
    grid = (N // block,)
    return pl.pallas_call(
        _phi_body,
        grid=grid,
        in_specs=[
            pl.BlockSpec((block, D), lambda i: (i, 0)),
            pl.BlockSpec((D, D), lambda i: (0, 0)),
            pl.BlockSpec((1, D), lambda i: (0, 0)),
            pl.BlockSpec((D, D), lambda i: (0, 0)),
            pl.BlockSpec((1, D), lambda i: (0, 0)),
        ],
        out_specs=pl.BlockSpec((block, D), lambda i: (i, 0)),
        out_shape=jax.ShapeDtypeStruct((N, D), jnp.float32),
    )(x, W1, b1, W2, b2)



def _seg_sum_body(h_hbm, seg_hbm, zero_hbm, out_hbm, acc_shared, idx_all,
                  buf0, buf1, buf2, sem0, sem1, sem2):
    c = lax.axis_index("c")
    s = lax.axis_index("s")
    wid = c * NS + s
    base = wid * ROWS_PER_W

    pltpu.sync_copy(zero_hbm.at[pl.ds(s * SEG_PER_TILE, SEG_PER_TILE), :],
                    acc_shared.at[pl.ds(s * SEG_PER_TILE, SEG_PER_TILE), :])

    @pl.when(s == NS - 1)
    def _zero_rem():
        pltpu.sync_copy(zero_hbm.at[pl.ds(REM_START, REM), :],
                        acc_shared.at[pl.ds(REM_START, REM), :])

    pltpu.sync_copy(seg_hbm.at[wid], idx_all)

    plsc.subcore_barrier()

    bufs = (buf0, buf1, buf2)
    sems = (sem0, sem1, sem2)

    def scatter_chunk(k, buf):
        pltpu.sync_copy(buf, acc_shared.at[idx_all.at[k]], add=True)

    for b in range(NBUF):
        pltpu.async_copy(h_hbm.at[pl.ds(base + b * SCAT, SCAT), :],
                         bufs[b], sems[b])

    def body(g, _):
        for b in range(NBUF):
            k = NBUF * g + b
            pltpu.make_async_copy(h_hbm.at[pl.ds(0, SCAT), :],
                                  bufs[b], sems[b]).wait()
            scatter_chunk(k, bufs[b])

            @pl.when(k + NBUF < NOUT)
            def _prefetch():
                pltpu.async_copy(
                    h_hbm.at[pl.ds(base + (k + NBUF) * SCAT, SCAT), :],
                    bufs[b], sems[b])
        return _

    lax.fori_loop(0, NLOOP, body, None)

    for b in range(TAIL):
        k = NLOOP * NBUF + b
        pltpu.make_async_copy(h_hbm.at[pl.ds(0, SCAT), :],
                              bufs[b], sems[b]).wait()
        scatter_chunk(k, bufs[b])

    plsc.subcore_barrier()

    pltpu.sync_copy(acc_shared.at[pl.ds(s * SEG_PER_TILE, SEG_PER_TILE), :],
                    out_hbm.at[c, pl.ds(s * SEG_PER_TILE, SEG_PER_TILE), :])

    @pl.when(s == NS - 1)
    def _flush_rem():
        pltpu.sync_copy(acc_shared.at[pl.ds(REM_START, REM), :],
                        out_hbm.at[c, pl.ds(REM_START, REM), :])


def _seg_sum(h, seg2d, zero):
    mesh = plsc.VectorSubcoreMesh(core_axis_name="c", subcore_axis_name="s",
                                  num_cores=NC, num_subcores=NS)
    f = pl.kernel(
        _seg_sum_body,
        out_type=jax.ShapeDtypeStruct((NC, S, D), jnp.float32),
        mesh=mesh,
        scratch_types=[
            pltpu.VMEM_SHARED((S, D), jnp.float32),
            pltpu.VMEM((NOUT, SCAT), jnp.int32),
            pltpu.VMEM((SCAT, D), jnp.float32),
            pltpu.VMEM((SCAT, D), jnp.float32),
            pltpu.VMEM((SCAT, D), jnp.float32),
            pltpu.SemaphoreType.DMA,
            pltpu.SemaphoreType.DMA,
            pltpu.SemaphoreType.DMA,
        ],
    )
    return f(h, seg2d, zero)



def _rho_body(p_ref, w3_ref, b3_ref, w4_ref, b4_ref, out_ref):
    xs = p_ref[0].astype(jnp.float32) + p_ref[1].astype(jnp.float32)
    u = jnp.maximum(
        jnp.dot(xs.astype(jnp.bfloat16), w3_ref[...],
                preferred_element_type=jnp.float32)
        + b3_ref[...], 0.0)
    out_ref[...] = (
        jnp.dot(u.astype(jnp.bfloat16), w4_ref[...],
                preferred_element_type=jnp.float32)
        + b4_ref[...])


def _rho(partials, W3, b3, W4, b4, block=1000):
    grid = (S // block,)
    return pl.pallas_call(
        _rho_body,
        grid=grid,
        in_specs=[
            pl.BlockSpec((NC, block, D), lambda i: (0, i, 0)),
            pl.BlockSpec((D, D), lambda i: (0, 0)),
            pl.BlockSpec((1, D), lambda i: (0, 0)),
            pl.BlockSpec((D, D), lambda i: (0, 0)),
            pl.BlockSpec((1, D), lambda i: (0, 0)),
        ],
        out_specs=pl.BlockSpec((block, D), lambda i: (i, 0)),
        out_shape=jax.ShapeDtypeStruct((S, D), jnp.float32),
    )(partials, W3, b3, W4, b4)



def kernel(x, segment_ids, W1, b1, W2, b2, W3, b3, W4, b4):
    seg2d = segment_ids.astype(jnp.int32).reshape(NW, ROWS_PER_W // SCAT, SCAT)
    h = _phi(x, W1.astype(jnp.bfloat16), b1.reshape(1, D),
             W2.astype(jnp.bfloat16), b2.reshape(1, D))
    zero = jnp.zeros((S, D), jnp.float32)
    partials = _seg_sum(h, seg2d, zero)
    return _rho(partials, W3.astype(jnp.bfloat16), b3.reshape(1, D),
                W4.astype(jnp.bfloat16), b4.reshape(1, D))

# --- scband reference (transcript-rebuilt; emitter-appended) ---
"""Pipeline reference for scband-invariant-deep-set-layer-11922829214360 (READ-ONLY COPY).

The authoritative reference and input builder live on the scoring server;
editing this copy changes nothing except your own understanding.
"""

import jax, jax.numpy as jnp
import numpy as np

N = 320000
D_IN = 128
D_OUT = 128
NUM_SEGMENTS = 10000


def setup_inputs(seed: int = 0) -> dict:
    key = jax.random.key(seed)
    ks = jax.random.split(key, 10)
    scale = 1.0 / np.sqrt(D_IN)
    x = jax.random.normal(ks[0], (N, D_IN), dtype=jnp.float32)
    segment_ids = jnp.sort(jax.random.randint(ks[1], (N,), 0, NUM_SEGMENTS, dtype=jnp.int64))
    W1 = jax.random.normal(ks[2], (D_IN, D_IN), dtype=jnp.float32) * scale
    b1 = jnp.zeros((D_IN,), dtype=jnp.float32)
    W2 = jax.random.normal(ks[3], (D_IN, D_IN), dtype=jnp.float32) * scale
    b2 = jnp.zeros((D_IN,), dtype=jnp.float32)
    W3 = jax.random.normal(ks[4], (D_IN, D_IN), dtype=jnp.float32) * scale
    b3 = jnp.zeros((D_IN,), dtype=jnp.float32)
    W4 = jax.random.normal(ks[5], (D_IN, D_OUT), dtype=jnp.float32) * scale
    b4 = jnp.zeros((D_OUT,), dtype=jnp.float32)
    return {"x": x, "segment_ids": segment_ids, "W1": W1, "b1": b1, "W2": W2, "b2": b2, "W3": W3, "b3": b3, "W4": W4, "b4": b4}


def reference(x, segment_ids, W1, b1, W2, b2, W3, b3, W4, b4):
    # phi: Linear -> ReLU -> Linear (per-element)
    h = jnp.maximum(x @ W1 + b1, 0.0) @ W2 + b2
    # invariant aggregation: scatter-sum over segments (batch ids)
    x_sum = jax.ops.segment_sum(h, segment_ids, num_segments=NUM_SEGMENTS)
    # rho: Linear -> ReLU -> Linear (per-segment)
    out = jnp.maximum(x_sum @ W3 + b3, 0.0) @ W4 + b4
    return out

if __name__ == "__main__":
    import jax
    _d = setup_inputs()
    print(jax.jit(kernel)(*tuple(_d.values())))

</pallas_src>

<mosaic_0001>
#map = affine_map<(d0, d1) -> (0, 0)>
#map1 = affine_map<(d0, d1) -> (0, 0, 0)>
module attributes {stable_mosaic.version = 14 : i64} {
  func.func @_seg_sum_body(%arg0: i32, %arg1: i32, %arg2: memref<320000x128xf32, #tpu.memory_space<hbm>>, %arg3: memref<32x125x80xi32, #tpu.memory_space<hbm>>, %arg4: memref<10000x128xf32, #tpu.memory_space<hbm>>, %arg5: memref<2x10000x128xf32, #tpu.memory_space<hbm>>, %arg6: memref<10000x128xf32, #tpu.memory_space<vmem_shared>>, %arg7: memref<125x80xi32, #tpu.memory_space<vmem>>, %arg8: memref<80x128xf32, #tpu.memory_space<vmem>>, %arg9: memref<80x128xf32, #tpu.memory_space<vmem>>, %arg10: memref<80x128xf32, #tpu.memory_space<vmem>>, %arg11: memref<!tpu.dma_semaphore, #tpu.memory_space<semaphore_mem>>, %arg12: memref<!tpu.dma_semaphore, #tpu.memory_space<semaphore_mem>>, %arg13: memref<!tpu.dma_semaphore, #tpu.memory_space<semaphore_mem>>) attributes {dimension_semantics = [#tpu.dimension_semantics<core_parallel>, #tpu.dimension_semantics<subcore_parallel>], iteration_bounds = array<i64: 2, 16>, scalar_prefetch = 0 : i64, scratch_operands = 8 : i64, tpu.core_type = #tpu.core_type<sc_vector_subcore>, window_params = [{transform_indices = #map}, {transform_indices = #map1}, {transform_indices = #map}, {transform_indices = #map1}]} {
    %mul3A = arith.constant 16 : i32
    %mul3A_0 = arith.muli %arg0, %mul3A : i32
    %add3A = arith.addi %mul3A_0, %arg1 : i32
    %mul3A_1 = arith.constant 10000 : i32
    %mul3A_2 = arith.muli %add3A, %mul3A_1 : i32
    %mul3A_3 = arith.constant 624 : i32
    %mul3A_4 = arith.muli %arg1, %mul3A_3 : i32
    %mul3A_5 = arith.constant 624 : i32
    %mul3A_6 = arith.muli %arg1, %mul3A_5 : i32
    "tpu.region"() ({
      %run_scoped3A_52 = tpu.sem_alloc : memref<!tpu.dma_semaphore, #tpu.memory_space<semaphore_mem>>
      %dma_start3A_53 = arith.constant 0 : i32
      %dma_start3A_54 = tpu.memref_slice %arg6[%mul3A_6, %dma_start3A_53] : memref<10000x128xf32, #tpu.memory_space<vmem_shared>> -> memref<624x128xf32, #tpu.memory_space<vmem_shared>>
      %dma_start3A_55 = arith.constant 0 : i32
      %dma_start3A_56 = tpu.memref_slice %arg4[%mul3A_4, %dma_start3A_55] : memref<10000x128xf32, #tpu.memory_space<hbm>> -> memref<624x128xf32, #tpu.memory_space<hbm>>
      tpu.enqueue_dma source(%dma_start3A_56 : memref<624x128xf32, #tpu.memory_space<hbm>>) target(%dma_start3A_54 : memref<624x128xf32, #tpu.memory_space<vmem_shared>>) target_semaphore(%run_scoped3A_52 : memref<!tpu.dma_semaphore, #tpu.memory_space<semaphore_mem>>)
      %dma_wait3A_57 = arith.constant 0 : i32
      %dma_wait3A_58 = tpu.memref_slice %arg6[%mul3A_6, %dma_wait3A_57] : memref<10000x128xf32, #tpu.memory_space<vmem_shared>> -> memref<624x128xf32, #tpu.memory_space<vmem_shared>>
      %dma_wait3A_59 = arith.constant 0 : i32
      %dma_wait3A_60 = tpu.memref_slice %arg4[%mul3A_4, %dma_wait3A_59] : memref<10000x128xf32, #tpu.memory_space<hbm>> -> memref<624x128xf32, #tpu.memory_space<hbm>>
      tpu.wait_dma2 semaphore(%run_scoped3A_52 : memref<!tpu.dma_semaphore, #tpu.memory_space<semaphore_mem>>) src(%dma_wait3A_60 : memref<624x128xf32, #tpu.memory_space<hbm>>) dst(%dma_wait3A_58 : memref<624x128xf32, #tpu.memory_space<vmem_shared>>)
      tpu.yield
    }) : () -> ()
    %eq3A = arith.constant 15 : i32
    %eq3A_7 = arith.cmpi eq, %arg1, %eq3A : i32
    %convert_element_type3A = arith.extui %eq3A_7 : i1 to i32
    %cond3A = arith.constant 0 : i32
    %cond3A_8 = arith.cmpi ne, %convert_element_type3A, %cond3A : i32
    scf.if %cond3A_8 {
      "tpu.region"() ({
        %run_scoped3A_52 = tpu.sem_alloc : memref<!tpu.dma_semaphore, #tpu.memory_space<semaphore_mem>>
        %dma_start3A_53 = arith.constant 9984 : i32
        %dma_start3A_54 = arith.constant 0 : i32
        %dma_start3A_55 = tpu.memref_slice %arg6[%dma_start3A_53, %dma_start3A_54] : memref<10000x128xf32, #tpu.memory_space<vmem_shared>> -> memref<16x128xf32, #tpu.memory_space<vmem_shared>>
        %dma_start3A_56 = arith.constant 9984 : i32
        %dma_start3A_57 = arith.constant 0 : i32
        %dma_start3A_58 = tpu.memref_slice %arg4[%dma_start3A_56, %dma_start3A_57] : memref<10000x128xf32, #tpu.memory_space<hbm>> -> memref<16x128xf32, #tpu.memory_space<hbm>>
        tpu.enqueue_dma source(%dma_start3A_58 : memref<16x128xf32, #tpu.memory_space<hbm>>) target(%dma_start3A_55 : memref<16x128xf32, #tpu.memory_space<vmem_shared>>) target_semaphore(%run_scoped3A_52 : memref<!tpu.dma_semaphore, #tpu.memory_space<semaphore_mem>>)
        %dma_wait3A_59 = arith.constant 9984 : i32
        %dma_wait3A_60 = arith.constant 0 : i32
        %dma_wait3A_61 = tpu.memref_slice %arg6[%dma_wait3A_59, %dma_wait3A_60] : memref<10000x128xf32, #tpu.memory_space<vmem_shared>> -> memref<16x128xf32, #tpu.memory_space<vmem_shared>>
        %dma_wait3A_62 = arith.constant 9984 : i32
        %dma_wait3A_63 = arith.constant 0 : i32
        %dma_wait3A_64 = tpu.memref_slice %arg4[%dma_wait3A_62, %dma_wait3A_63] : memref<10000x128xf32, #tpu.memory_space<hbm>> -> memref<16x128xf32, #tpu.memory_space<hbm>>
        tpu.wait_dma2 semaphore(%run_scoped3A_52 : memref<!tpu.dma_semaphore, #tpu.memory_space<semaphore_mem>>) src(%dma_wait3A_64 : memref<16x128xf32, #tpu.memory_space<hbm>>) dst(%dma_wait3A_61 : memref<16x128xf32, #tpu.memory_space<vmem_shared>>)
        tpu.yield
      }) : () -> ()
    } else {
    }
    "tpu.region"() ({
      %run_scoped3A_52 = tpu.sem_alloc : memref<!tpu.dma_semaphore, #tpu.memory_space<semaphore_mem>>
      %dma_start3A_53 = arith.constant 0 : i32
      %dma_start3A_54 = arith.constant 0 : i32
      %dma_start3A_55 = tpu.memref_slice %arg3[%add3A, %dma_start3A_53, %dma_start3A_54] : memref<32x125x80xi32, #tpu.memory_space<hbm>> -> memref<1x125x80xi32, #tpu.memory_space<hbm>>
      %dma_start3A_56 = tpu.memref_squeeze %dma_start3A_55 : memref<1x125x80xi32, #tpu.memory_space<hbm>> -> memref<125x80xi32, #tpu.memory_space<hbm>>
      %dma_start3A_57 = arith.constant 0 : i32
      %dma_start3A_58 = arith.constant 0 : i32
      %dma_start3A_59 = tpu.memref_slice %arg3[%add3A, %dma_start3A_57, %dma_start3A_58] : memref<32x125x80xi32, #tpu.memory_space<hbm>> -> memref<1x125x80xi32, #tpu.memory_space<hbm>>
      %dma_start3A_60 = tpu.memref_squeeze %dma_start3A_59 : memref<1x125x80xi32, #tpu.memory_space<hbm>> -> memref<125x80xi32, #tpu.memory_space<hbm>>
      tpu.enqueue_dma source(%dma_start3A_60 : memref<125x80xi32, #tpu.memory_space<hbm>>) target(%arg7 : memref<125x80xi32, #tpu.memory_space<vmem>>) target_semaphore(%run_scoped3A_52 : memref<!tpu.dma_semaphore, #tpu.memory_space<semaphore_mem>>)
      %dma_wait3A_61 = arith.constant 0 : i32
      %dma_wait3A_62 = arith.constant 0 : i32
      %dma_wait3A_63 = tpu.memref_slice %arg3[%add3A, %dma_wait3A_61, %dma_wait3A_62] : memref<32x125x80xi32, #tpu.memory_space<hbm>> -> memref<1x125x80xi32, #tpu.memory_space<hbm>>
      %dma_wait3A_64 = tpu.memref_squeeze %dma_wait3A_63 : memref<1x125x80xi32, #tpu.memory_space<hbm>> -> memref<125x80xi32, #tpu.memory_space<hbm>>
      %dma_wait3A_65 = arith.constant 0 : i32
      %dma_wait3A_66 = arith.constant 0 : i32
      %dma_wait3A_67 = tpu.memref_slice %arg3[%add3A, %dma_wait3A_65, %dma_wait3A_66] : memref<32x125x80xi32, #tpu.memory_space<hbm>> -> memref<1x125x80xi32, #tpu.memory_space<hbm>>
      %dma_wait3A_68 = tpu.memref_squeeze %dma_wait3A_67 : memref<1x125x80xi32, #tpu.memory_space<hbm>> -> memref<125x80xi32, #tpu.memory_space<hbm>>
      tpu.wait_dma2 semaphore(%run_scoped3A_52 : memref<!tpu.dma_semaphore, #tpu.memory_space<semaphore_mem>>) src(%dma_wait3A_68 : memref<125x80xi32, #tpu.memory_space<hbm>>) dst(%arg7 : memref<125x80xi32, #tpu.memory_space<vmem>>)
      tpu.yield
    }) : () -> ()
    %barrier3A = arith.constant 0 : index
    tpu.barrier barrier_id(%barrier3A)
    %add3A_9 = arith.constant 0 : i32
    %add3A_10 = arith.addi %mul3A_2, %add3A_9 : i32
    %dma_start3A = arith.constant 0 : i32
    %dma_start3A_11 = tpu.memref_slice %arg2[%add3A_10, %dma_start3A] : memref<320000x128xf32, #tpu.memory_space<hbm>> -> memref<80x128xf32, #tpu.memory_space<hbm>>
    %dma_start3A_12 = arith.constant 0 : i32
    %dma_start3A_13 = tpu.memref_slice %arg2[%add3A_10, %dma_start3A_12] : memref<320000x128xf32, #tpu.memory_space<hbm>> -> memref<80x128xf32, #tpu.memory_space<hbm>>
    tpu.enqueue_dma source(%dma_start3A_13 : memref<80x128xf32, #tpu.memory_space<hbm>>) target(%arg8 : memref<80x128xf32, #tpu.memory_space<vmem>>) target_semaphore(%arg11 : memref<!tpu.dma_semaphore, #tpu.memory_space<semaphore_mem>>)
    %add3A_14 = arith.constant 80 : i32
    %add3A_15 = arith.addi %mul3A_2, %add3A_14 : i32
    %dma_start3A_16 = arith.constant 0 : i32
    %dma_start3A_17 = tpu.memref_slice %arg2[%add3A_15, %dma_start3A_16] : memref<320000x128xf32, #tpu.memory_space<hbm>> -> memref<80x128xf32, #tpu.memory_space<hbm>>
    %dma_start3A_18 = arith.constant 0 : i32
    %dma_start3A_19 = tpu.memref_slice %arg2[%add3A_15, %dma_start3A_18] : memref<320000x128xf32, #tpu.memory_space<hbm>> -> memref<80x128xf32, #tpu.memory_space<hbm>>
    tpu.enqueue_dma source(%dma_start3A_19 : memref<80x128xf32, #tpu.memory_space<hbm>>) target(%arg9 : memref<80x128xf32, #tpu.memory_space<vmem>>) target_semaphore(%arg12 : memref<!tpu.dma_semaphore, #tpu.memory_space<semaphore_mem>>)
    %add3A_20 = arith.constant 160 : i32
    %add3A_21 = arith.addi %mul3A_2, %add3A_20 : i32
    %dma_start3A_22 = arith.constant 0 : i32
    %dma_start3A_23 = tpu.memref_slice %arg2[%add3A_21, %dma_start3A_22] : memref<320000x128xf32, #tpu.memory_space<hbm>> -> memref<80x128xf32, #tpu.memory_space<hbm>>
    %dma_start3A_24 = arith.constant 0 : i32
    %dma_start3A_25 = tpu.memref_slice %arg2[%add3A_21, %dma_start3A_24] : memref<320000x128xf32, #tpu.memory_space<hbm>> -> memref<80x128xf32, #tpu.memory_space<hbm>>
    tpu.enqueue_dma source(%dma_start3A_25 : memref<80x128xf32, #tpu.memory_space<hbm>>) target(%arg10 : memref<80x128xf32, #tpu.memory_space<vmem>>) target_semaphore(%arg13 : memref<!tpu.dma_semaphore, #tpu.memory_space<semaphore_mem>>)
    %scan3A = arith.constant 0 : i32
    %scan3A_26 = arith.constant 41 : i32
    %scan3A_27 = arith.addi %scan3A, %scan3A_26 : i32
    %scan3A_28 = arith.constant 1 : i32
    scf.for %scan3A_52 = %scan3A to %scan3A_27 step %scan3A_28  : i32 {
      %mul3A_53 = arith.constant 3 : i32
      %mul3A_54 = arith.muli %mul3A_53, %scan3A_52 : i32
      %add3A_55 = arith.constant 0 : i32
      %add3A_56 = arith.addi %mul3A_54, %add3A_55 : i32
      %dma_wait3A_57 = arith.constant 0 : i32
      %dma_wait3A_58 = arith.constant 0 : i32
      %dma_wait3A_59 = tpu.memref_slice %arg2[%dma_wait3A_57, %dma_wait3A_58] : memref<320000x128xf32, #tpu.memory_space<hbm>> -> memref<80x128xf32, #tpu.memory_space<hbm>>
      %dma_wait3A_60 = arith.constant 0 : i32
      %dma_wait3A_61 = arith.constant 0 : i32
      %dma_wait3A_62 = tpu.memref_slice %arg2[%dma_wait3A_60, %dma_wait3A_61] : memref<320000x128xf32, #tpu.memory_space<hbm>> -> memref<80x128xf32, #tpu.memory_space<hbm>>
      tpu.wait_dma2 semaphore(%arg11 : memref<!tpu.dma_semaphore, #tpu.memory_space<semaphore_mem>>) src(%dma_wait3A_62 : memref<80x128xf32, #tpu.memory_space<hbm>>) dst(%arg8 : memref<80x128xf32, #tpu.memory_space<vmem>>)
      "tpu.region"() ({
        %run_scoped3A_103 = tpu.sem_alloc : memref<!tpu.dma_semaphore, #tpu.memory_space<semaphore_mem>>
        %dma_start3A_104 = arith.constant 0 : i32
        %dma_start3A_105 = tpu.memref_slice %arg7[%add3A_56, %dma_start3A_104] : memref<125x80xi32, #tpu.memory_space<vmem>> -> memref<1x80xi32, #tpu.memory_space<vmem>>
        %dma_start3A_106 = tpu.memref_squeeze %dma_start3A_105 : memref<1x80xi32, #tpu.memory_space<vmem>> -> memref<80xi32, #tpu.memory_space<vmem>>
        %dma_start3A_107 = arith.constant 0 : i32
        %dma_start3A_108 = arith.constant 0 : i32
        %dma_start3A_109 = tpu.memref_slice %arg6[%dma_start3A_107, %dma_start3A_108] : memref<10000x128xf32, #tpu.memory_space<vmem_shared>> -> memref<10000x128xf32, #tpu.memory_space<vmem_shared>>
        tpu.enqueue_indirect_dma source(%arg8 : memref<80x128xf32, #tpu.memory_space<vmem>>) target(%dma_start3A_109 : memref<10000x128xf32, #tpu.memory_space<vmem_shared>>) offsets(%dma_start3A_106 : memref<80xi32, #tpu.memory_space<vmem>>) semaphore(%run_scoped3A_103 : memref<!tpu.dma_semaphore, #tpu.memory_space<semaphore_mem>>) {add = true}
        %dma_wait3A_110 = arith.constant 0 : i32
        %dma_wait3A_111 = tpu.memref_slice %arg7[%add3A_56, %dma_wait3A_110] : memref<125x80xi32, #tpu.memory_space<vmem>> -> memref<1x80xi32, #tpu.memory_space<vmem>>
        %dma_wait3A_112 = tpu.memref_squeeze %dma_wait3A_111 : memref<1x80xi32, #tpu.memory_space<vmem>> -> memref<80xi32, #tpu.memory_space<vmem>>
        %dma_wait3A_113 = arith.constant 0 : i32
        %dma_wait3A_114 = arith.constant 0 : i32
        %dma_wait3A_115 = tpu.memref_slice %arg6[%dma_wait3A_113, %dma_wait3A_114] : memref<10000x128xf32, #tpu.memory_space<vmem_shared>> -> memref<10000x128xf32, #tpu.memory_space<vmem_shared>>
        tpu.wait_indirect_dma semaphore(%run_scoped3A_103 : memref<!tpu.dma_semaphore, #tpu.memory_space<semaphore_mem>>) src(%arg8 : memref<80x128xf32, #tpu.memory_space<vmem>>) dst(%dma_wait3A_115 : memref<10000x128xf32, #tpu.memory_space<vmem_shared>>)
        tpu.yield
      }) : () -> ()
      %add3A_63 = arith.constant 3 : i32
      %add3A_64 = arith.addi %add3A_56, %add3A_63 : i32
      %lt3A = arith.constant 125 : i32
      %lt3A_65 = arith.cmpi slt, %add3A_64, %lt3A : i32
      %convert_element_type3A_66 = arith.extui %lt3A_65 : i1 to i32
      %cond3A_67 = arith.constant 0 : i32
      %cond3A_68 = arith.cmpi ne, %convert_element_type3A_66, %cond3A_67 : i32
      scf.if %cond3A_68 {
        %add3A_103 = arith.constant 3 : i32
        %add3A_104 = arith.addi %add3A_56, %add3A_103 : i32
        %mul3A_105 = arith.constant 80 : i32
        %mul3A_106 = arith.muli %add3A_104, %mul3A_105 : i32
        %add3A_107 = arith.addi %mul3A_2, %mul3A_106 : i32
        %dma_start3A_108 = arith.constant 0 : i32
        %dma_start3A_109 = tpu.memref_slice %arg2[%add3A_107, %dma_start3A_108] : memref<320000x128xf32, #tpu.memory_space<hbm>> -> memref<80x128xf32, #tpu.memory_space<hbm>>
        %dma_start3A_110 = arith.constant 0 : i32
        %dma_start3A_111 = tpu.memref_slice %arg2[%add3A_107, %dma_start3A_110] : memref<320000x128xf32, #tpu.memory_space<hbm>> -> memref<80x128xf32, #tpu.memory_space<hbm>>
        tpu.enqueue_dma source(%dma_start3A_111 : memref<80x128xf32, #tpu.memory_space<hbm>>) target(%arg8 : memref<80x128xf32, #tpu.memory_space<vmem>>) target_semaphore(%arg11 : memref<!tpu.dma_semaphore, #tpu.memory_space<semaphore_mem>>)
      } else {
      }
      %mul3A_69 = arith.constant 3 : i32
      %mul3A_70 = arith.muli %mul3A_69, %scan3A_52 : i32
      %add3A_71 = arith.constant 1 : i32
      %add3A_72 = arith.addi %mul3A_70, %add3A_71 : i32
      %dma_wait3A_73 = arith.constant 0 : i32
      %dma_wait3A_74 = arith.constant 0 : i32
      %dma_wait3A_75 = tpu.memref_slice %arg2[%dma_wait3A_73, %dma_wait3A_74] : memref<320000x128xf32, #tpu.memory_space<hbm>> -> memref<80x128xf32, #tpu.memory_space<hbm>>
      %dma_wait3A_76 = arith.constant 0 : i32
      %dma_wait3A_77 = arith.constant 0 : i32
      %dma_wait3A_78 = tpu.memref_slice %arg2[%dma_wait3A_76, %dma_wait3A_77] : memref<320000x128xf32, #tpu.memory_space<hbm>> -> memref<80x128xf32, #tpu.memory_space<hbm>>
      tpu.wait_dma2 semaphore(%arg12 : memref<!tpu.dma_semaphore, #tpu.memory_space<semaphore_mem>>) src(%dma_wait3A_78 : memref<80x128xf32, #tpu.memory_space<hbm>>) dst(%arg9 : memref<80x128xf32, #tpu.memory_space<vmem>>)
      "tpu.region"() ({
        %run_scoped3A_103 = tpu.sem_alloc : memref<!tpu.dma_semaphore, #tpu.memory_space<semaphore_mem>>
        %dma_start3A_104 = arith.constant 0 : i32
        %dma_start3A_105 = tpu.memref_slice %arg7[%add3A_72, %dma_start3A_104] : memref<125x80xi32, #tpu.memory_space<vmem>> -> memref<1x80xi32, #tpu.memory_space<vmem>>
        %dma_start3A_106 = tpu.memref_squeeze %dma_start3A_105 : memref<1x80xi32, #tpu.memory_space<vmem>> -> memref<80xi32, #tpu.memory_space<vmem>>
        %dma_start3A_107 = arith.constant 0 : i32
        %dma_start3A_108 = arith.constant 0 : i32
        %dma_start3A_109 = tpu.memref_slice %arg6[%dma_start3A_107, %dma_start3A_108] : memref<10000x128xf32, #tpu.memory_space<vmem_shared>> -> memref<10000x128xf32, #tpu.memory_space<vmem_shared>>
        tpu.enqueue_indirect_dma source(%arg9 : memref<80x128xf32, #tpu.memory_space<vmem>>) target(%dma_start3A_109 : memref<10000x128xf32, #tpu.memory_space<vmem_shared>>) offsets(%dma_start3A_106 : memref<80xi32, #tpu.memory_space<vmem>>) semaphore(%run_scoped3A_103 : memref<!tpu.dma_semaphore, #tpu.memory_space<semaphore_mem>>) {add = true}
        %dma_wait3A_110 = arith.constant 0 : i32
        %dma_wait3A_111 = tpu.memref_slice %arg7[%add3A_72, %dma_wait3A_110] : memref<125x80xi32, #tpu.memory_space<vmem>> -> memref<1x80xi32, #tpu.memory_space<vmem>>
        %dma_wait3A_112 = tpu.memref_squeeze %dma_wait3A_111 : memref<1x80xi32, #tpu.memory_space<vmem>> -> memref<80xi32, #tpu.memory_space<vmem>>
        %dma_wait3A_113 = arith.constant 0 : i32
        %dma_wait3A_114 = arith.constant 0 : i32
        %dma_wait3A_115 = tpu.memref_slice %arg6[%dma_wait3A_113, %dma_wait3A_114] : memref<10000x128xf32, #tpu.memory_space<vmem_shared>> -> memref<10000x128xf32, #tpu.memory_space<vmem_shared>>
        tpu.wait_indirect_dma semaphore(%run_scoped3A_103 : memref<!tpu.dma_semaphore, #tpu.memory_space<semaphore_mem>>) src(%arg9 : memref<80x128xf32, #tpu.memory_space<vmem>>) dst(%dma_wait3A_115 : memref<10000x128xf32, #tpu.memory_space<vmem_shared>>)
        tpu.yield
      }) : () -> ()
      %add3A_79 = arith.constant 3 : i32
      %add3A_80 = arith.addi %add3A_72, %add3A_79 : i32
      %lt3A_81 = arith.constant 125 : i32
      %lt3A_82 = arith.cmpi slt, %add3A_80, %lt3A_81 : i32
      %convert_element_type3A_83 = arith.extui %lt3A_82 : i1 to i32
      %cond3A_84 = arith.constant 0 : i32
      %cond3A_85 = arith.cmpi ne, %convert_element_type3A_83, %cond3A_84 : i32
      scf.if %cond3A_85 {
        %add3A_103 = arith.constant 3 : i32
        %add3A_104 = arith.addi %add3A_72, %add3A_103 : i32
        %mul3A_105 = arith.constant 80 : i32
        %mul3A_106 = arith.muli %add3A_104, %mul3A_105 : i32
        %add3A_107 = arith.addi %mul3A_2, %mul3A_106 : i32
        %dma_start3A_108 = arith.constant 0 : i32
        %dma_start3A_109 = tpu.memref_slice %arg2[%add3A_107, %dma_start3A_108] : memref<320000x128xf32, #tpu.memory_space<hbm>> -> memref<80x128xf32, #tpu.memory_space<hbm>>
        %dma_start3A_110 = arith.constant 0 : i32
        %dma_start3A_111 = tpu.memref_slice %arg2[%add3A_107, %dma_start3A_110] : memref<320000x128xf32, #tpu.memory_space<hbm>> -> memref<80x128xf32, #tpu.memory_space<hbm>>
        tpu.enqueue_dma source(%dma_start3A_111 : memref<80x128xf32, #tpu.memory_space<hbm>>) target(%arg9 : memref<80x128xf32, #tpu.memory_space<vmem>>) target_semaphore(%arg12 : memref<!tpu.dma_semaphore, #tpu.memory_space<semaphore_mem>>)
      } else {
      }
      %mul3A_86 = arith.constant 3 : i32
      %mul3A_87 = arith.muli %mul3A_86, %scan3A_52 : i32
      %add3A_88 = arith.constant 2 : i32
      %add3A_89 = arith.addi %mul3A_87, %add3A_88 : i32
      %dma_wait3A_90 = arith.constant 0 : i32
      %dma_wait3A_91 = arith.constant 0 : i32
      %dma_wait3A_92 = tpu.memref_slice %arg2[%dma_wait3A_90, %dma_wait3A_91] : memref<320000x128xf32, #tpu.memory_space<hbm>> -> memref<80x128xf32, #tpu.memory_space<hbm>>
      %dma_wait3A_93 = arith.constant 0 : i32
      %dma_wait3A_94 = arith.constant 0 : i32
      %dma_wait3A_95 = tpu.memref_slice %arg2[%dma_wait3A_93, %dma_wait3A_94] : memref<320000x128xf32, #tpu.memory_space<hbm>> -> memref<80x128xf32, #tpu.memory_space<hbm>>
      tpu.wait_dma2 semaphore(%arg13 : memref<!tpu.dma_semaphore, #tpu.memory_space<semaphore_mem>>) src(%dma_wait3A_95 : memref<80x128xf32, #tpu.memory_space<hbm>>) dst(%arg10 : memref<80x128xf32, #tpu.memory_space<vmem>>)
      "tpu.region"() ({
        %run_scoped3A_103 = tpu.sem_alloc : memref<!tpu.dma_semaphore, #tpu.memory_space<semaphore_mem>>
        %dma_start3A_104 = arith.constant 0 : i32
        %dma_start3A_105 = tpu.memref_slice %arg7[%add3A_89, %dma_start3A_104] : memref<125x80xi32, #tpu.memory_space<vmem>> -> memref<1x80xi32, #tpu.memory_space<vmem>>
        %dma_start3A_106 = tpu.memref_squeeze %dma_start3A_105 : memref<1x80xi32, #tpu.memory_space<vmem>> -> memref<80xi32, #tpu.memory_space<vmem>>
        %dma_start3A_107 = arith.constant 0 : i32
        %dma_start3A_108 = arith.constant 0 : i32
        %dma_start3A_109 = tpu.memref_slice %arg6[%dma_start3A_107, %dma_start3A_108] : memref<10000x128xf32, #tpu.memory_space<vmem_shared>> -> memref<10000x128xf32, #tpu.memory_space<vmem_shared>>
        tpu.enqueue_indirect_dma source(%arg10 : memref<80x128xf32, #tpu.memory_space<vmem>>) target(%dma_start3A_109 : memref<10000x128xf32, #tpu.memory_space<vmem_shared>>) offsets(%dma_start3A_106 : memref<80xi32, #tpu.memory_space<vmem>>) semaphore(%run_scoped3A_103 : memref<!tpu.dma_semaphore, #tpu.memory_space<semaphore_mem>>) {add = true}
        %dma_wait3A_110 = arith.constant 0 : i32
        %dma_wait3A_111 = tpu.memref_slice %arg7[%add3A_89, %dma_wait3A_110] : memref<125x80xi32, #tpu.memory_space<vmem>> -> memref<1x80xi32, #tpu.memory_space<vmem>>
        %dma_wait3A_112 = tpu.memref_squeeze %dma_wait3A_111 : memref<1x80xi32, #tpu.memory_space<vmem>> -> memref<80xi32, #tpu.memory_space<vmem>>
        %dma_wait3A_113 = arith.constant 0 : i32
        %dma_wait3A_114 = arith.constant 0 : i32
        %dma_wait3A_115 = tpu.memref_slice %arg6[%dma_wait3A_113, %dma_wait3A_114] : memref<10000x128xf32, #tpu.memory_space<vmem_shared>> -> memref<10000x128xf32, #tpu.memory_space<vmem_shared>>
        tpu.wait_indirect_dma semaphore(%run_scoped3A_103 : memref<!tpu.dma_semaphore, #tpu.memory_space<semaphore_mem>>) src(%arg10 : memref<80x128xf32, #tpu.memory_space<vmem>>) dst(%dma_wait3A_115 : memref<10000x128xf32, #tpu.memory_space<vmem_shared>>)
        tpu.yield
      }) : () -> ()
      %add3A_96 = arith.constant 3 : i32
      %add3A_97 = arith.addi %add3A_89, %add3A_96 : i32
      %lt3A_98 = arith.constant 125 : i32
      %lt3A_99 = arith.cmpi slt, %add3A_97, %lt3A_98 : i32
      %convert_element_type3A_100 = arith.extui %lt3A_99 : i1 to i32
      %cond3A_101 = arith.constant 0 : i32
      %cond3A_102 = arith.cmpi ne, %convert_element_type3A_100, %cond3A_101 : i32
      scf.if %cond3A_102 {
        %add3A_103 = arith.constant 3 : i32
        %add3A_104 = arith.addi %add3A_89, %add3A_103 : i32
        %mul3A_105 = arith.constant 80 : i32
        %mul3A_106 = arith.muli %add3A_104, %mul3A_105 : i32
        %add3A_107 = arith.addi %mul3A_2, %mul3A_106 : i32
        %dma_start3A_108 = arith.constant 0 : i32
        %dma_start3A_109 = tpu.memref_slice %arg2[%add3A_107, %dma_start3A_108] : memref<320000x128xf32, #tpu.memory_space<hbm>> -> memref<80x128xf32, #tpu.memory_space<hbm>>
        %dma_start3A_110 = arith.constant 0 : i32
        %dma_start3A_111 = tpu.memref_slice %arg2[%add3A_107, %dma_start3A_110] : memref<320000x128xf32, #tpu.memory_space<hbm>> -> memref<80x128xf32, #tpu.memory_space<hbm>>
        tpu.enqueue_dma source(%dma_start3A_111 : memref<80x128xf32, #tpu.memory_space<hbm>>) target(%arg10 : memref<80x128xf32, #tpu.memory_space<vmem>>) target_semaphore(%arg13 : memref<!tpu.dma_semaphore, #tpu.memory_space<semaphore_mem>>)
      } else {
      }
    }
    %scan3A_29 = arith.constant 41 : i32
    %dma_wait3A = arith.constant 0 : i32
    %dma_wait3A_30 = arith.constant 0 : i32
    %dma_wait3A_31 = tpu.memref_slice %arg2[%dma_wait3A, %dma_wait3A_30] : memref<320000x128xf32, #tpu.memory_space<hbm>> -> memref<80x128xf32, #tpu.memory_space<hbm>>
    %dma_wait3A_32 = arith.constant 0 : i32
    %dma_wait3A_33 = arith.constant 0 : i32
    %dma_wait3A_34 = tpu.memref_slice %arg2[%dma_wait3A_32, %dma_wait3A_33] : memref<320000x128xf32, #tpu.memory_space<hbm>> -> memref<80x128xf32, #tpu.memory_space<hbm>>
    tpu.wait_dma2 semaphore(%arg11 : memref<!tpu.dma_semaphore, #tpu.memory_space<semaphore_mem>>) src(%dma_wait3A_34 : memref<80x128xf32, #tpu.memory_space<hbm>>) dst(%arg8 : memref<80x128xf32, #tpu.memory_space<vmem>>)
    %run_scoped3A = arith.constant 123 : i32
    "tpu.region"() ({
      %run_scoped3A_52 = tpu.sem_alloc : memref<!tpu.dma_semaphore, #tpu.memory_space<semaphore_mem>>
      %dma_start3A_53 = arith.constant 0 : i32
      %dma_start3A_54 = tpu.memref_slice %arg7[%run_scoped3A, %dma_start3A_53] : memref<125x80xi32, #tpu.memory_space<vmem>> -> memref<1x80xi32, #tpu.memory_space<vmem>>
      %dma_start3A_55 = tpu.memref_squeeze %dma_start3A_54 : memref<1x80xi32, #tpu.memory_space<vmem>> -> memref<80xi32, #tpu.memory_space<vmem>>
      %dma_start3A_56 = arith.constant 0 : i32
      %dma_start3A_57 = arith.constant 0 : i32
      %dma_start3A_58 = tpu.memref_slice %arg6[%dma_start3A_56, %dma_start3A_57] : memref<10000x128xf32, #tpu.memory_space<vmem_shared>> -> memref<10000x128xf32, #tpu.memory_space<vmem_shared>>
      tpu.enqueue_indirect_dma source(%arg8 : memref<80x128xf32, #tpu.memory_space<vmem>>) target(%dma_start3A_58 : memref<10000x128xf32, #tpu.memory_space<vmem_shared>>) offsets(%dma_start3A_55 : memref<80xi32, #tpu.memory_space<vmem>>) semaphore(%run_scoped3A_52 : memref<!tpu.dma_semaphore, #tpu.memory_space<semaphore_mem>>) {add = true}
      %dma_wait3A_59 = arith.constant 0 : i32
      %dma_wait3A_60 = tpu.memref_slice %arg7[%run_scoped3A, %dma_wait3A_59] : memref<125x80xi32, #tpu.memory_space<vmem>> -> memref<1x80xi32, #tpu.memory_space<vmem>>
      %dma_wait3A_61 = tpu.memref_squeeze %dma_wait3A_60 : memref<1x80xi32, #tpu.memory_space<vmem>> -> memref<80xi32, #tpu.memory_space<vmem>>
      %dma_wait3A_62 = arith.constant 0 : i32
      %dma_wait3A_63 = arith.constant 0 : i32
      %dma_wait3A_64 = tpu.memref_slice %arg6[%dma_wait3A_62, %dma_wait3A_63] : memref<10000x128xf32, #tpu.memory_space<vmem_shared>> -> memref<10000x128xf32, #tpu.memory_space<vmem_shared>>
      tpu.wait_indirect_dma semaphore(%run_scoped3A_52 : memref<!tpu.dma_semaphore, #tpu.memory_space<semaphore_mem>>) src(%arg8 : memref<80x128xf32, #tpu.memory_space<vmem>>) dst(%dma_wait3A_64 : memref<10000x128xf32, #tpu.memory_space<vmem_shared>>)
      tpu.yield
    }) : () -> ()
    %dma_wait3A_35 = arith.constant 0 : i32
    %dma_wait3A_36 = arith.constant 0 : i32
    %dma_wait3A_37 = tpu.memref_slice %arg2[%dma_wait3A_35, %dma_wait3A_36] : memref<320000x128xf32, #tpu.memory_space<hbm>> -> memref<80x128xf32, #tpu.memory_space<hbm>>
    %dma_wait3A_38 = arith.constant 0 : i32
    %dma_wait3A_39 = arith.constant 0 : i32
    %dma_wait3A_40 = tpu.memref_slice %arg2[%dma_wait3A_38, %dma_wait3A_39] : memref<320000x128xf32, #tpu.memory_space<hbm>> -> memref<80x128xf32, #tpu.memory_space<hbm>>
    tpu.wait_dma2 semaphore(%arg12 : memref<!tpu.dma_semaphore, #tpu.memory_space<semaphore_mem>>) src(%dma_wait3A_40 : memref<80x128xf32, #tpu.memory_space<hbm>>) dst(%arg9 : memref<80x128xf32, #tpu.memory_space<vmem>>)
    %run_scoped3A_41 = arith.constant 124 : i32
    "tpu.region"() ({
      %run_scoped3A_52 = tpu.sem_alloc : memref<!tpu.dma_semaphore, #tpu.memory_space<semaphore_mem>>
      %dma_start3A_53 = arith.constant 0 : i32
      %dma_start3A_54 = tpu.memref_slice %arg7[%run_scoped3A_41, %dma_start3A_53] : memref<125x80xi32, #tpu.memory_space<vmem>> -> memref<1x80xi32, #tpu.memory_space<vmem>>
      %dma_start3A_55 = tpu.memref_squeeze %dma_start3A_54 : memref<1x80xi32, #tpu.memory_space<vmem>> -> memref<80xi32, #tpu.memory_space<vmem>>
      %dma_start3A_56 = arith.constant 0 : i32
      %dma_start3A_57 = arith.constant 0 : i32
      %dma_start3A_58 = tpu.memref_slice %arg6[%dma_start3A_56, %dma_start3A_57] : memref<10000x128xf32, #tpu.memory_space<vmem_shared>> -> memref<10000x128xf32, #tpu.memory_space<vmem_shared>>
      tpu.enqueue_indirect_dma source(%arg9 : memref<80x128xf32, #tpu.memory_space<vmem>>) target(%dma_start3A_58 : memref<10000x128xf32, #tpu.memory_space<vmem_shared>>) offsets(%dma_start3A_55 : memref<80xi32, #tpu.memory_space<vmem>>) semaphore(%run_scoped3A_52 : memref<!tpu.dma_semaphore, #tpu.memory_space<semaphore_mem>>) {add = true}
      %dma_wait3A_59 = arith.constant 0 : i32
      %dma_wait3A_60 = tpu.memref_slice %arg7[%run_scoped3A_41, %dma_wait3A_59] : memref<125x80xi32, #tpu.memory_space<vmem>> -> memref<1x80xi32, #tpu.memory_space<vmem>>
      %dma_wait3A_61 = tpu.memref_squeeze %dma_wait3A_60 : memref<1x80xi32, #tpu.memory_space<vmem>> -> memref<80xi32, #tpu.memory_space<vmem>>
      %dma_wait3A_62 = arith.constant 0 : i32
      %dma_wait3A_63 = arith.constant 0 : i32
      %dma_wait3A_64 = tpu.memref_slice %arg6[%dma_wait3A_62, %dma_wait3A_63] : memref<10000x128xf32, #tpu.memory_space<vmem_shared>> -> memref<10000x128xf32, #tpu.memory_space<vmem_shared>>
      tpu.wait_indirect_dma semaphore(%run_scoped3A_52 : memref<!tpu.dma_semaphore, #tpu.memory_space<semaphore_mem>>) src(%arg9 : memref<80x128xf32, #tpu.memory_space<vmem>>) dst(%dma_wait3A_64 : memref<10000x128xf32, #tpu.memory_space<vmem_shared>>)
      tpu.yield
    }) : () -> ()
    %barrier3A_42 = arith.constant 0 : index
    tpu.barrier barrier_id(%barrier3A_42)
    %mul3A_43 = arith.constant 624 : i32
    %mul3A_44 = arith.muli %arg1, %mul3A_43 : i32
    %mul3A_45 = arith.constant 624 : i32
    %mul3A_46 = arith.muli %arg1, %mul3A_45 : i32
    "tpu.region"() ({
      %run_scoped3A_52 = tpu.sem_alloc : memref<!tpu.dma_semaphore, #tpu.memory_space<semaphore_mem>>
      %dma_start3A_53 = arith.constant 0 : i32
      %dma_start3A_54 = tpu.memref_slice %arg5[%arg0, %mul3A_46, %dma_start3A_53] : memref<2x10000x128xf32, #tpu.memory_space<hbm>> -> memref<1x624x128xf32, #tpu.memory_space<hbm>>
      %dma_start3A_55 = tpu.memref_squeeze %dma_start3A_54 : memref<1x624x128xf32, #tpu.memory_space<hbm>> -> memref<624x128xf32, #tpu.memory_space<hbm>>
      %dma_start3A_56 = arith.constant 0 : i32
      %dma_start3A_57 = tpu.memref_slice %arg6[%mul3A_44, %dma_start3A_56] : memref<10000x128xf32, #tpu.memory_space<vmem_shared>> -> memref<624x128xf32, #tpu.memory_space<vmem_shared>>
      tpu.enqueue_dma source(%dma_start3A_57 : memref<624x128xf32, #tpu.memory_space<vmem_shared>>) target(%dma_start3A_55 : memref<624x128xf32, #tpu.memory_space<hbm>>) target_semaphore(%run_scoped3A_52 : memref<!tpu.dma_semaphore, #tpu.memory_space<semaphore_mem>>)
      %dma_wait3A_58 = arith.constant 0 : i32
      %dma_wait3A_59 = tpu.memref_slice %arg5[%arg0, %mul3A_46, %dma_wait3A_58] : memref<2x10000x128xf32, #tpu.memory_space<hbm>> -> memref<1x624x128xf32, #tpu.memory_space<hbm>>
      %dma_wait3A_60 = tpu.memref_squeeze %dma_wait3A_59 : memref<1x624x128xf32, #tpu.memory_space<hbm>> -> memref<624x128xf32, #tpu.memory_space<hbm>>
      %dma_wait3A_61 = arith.constant 0 : i32
      %dma_wait3A_62 = tpu.memref_slice %arg6[%mul3A_44, %dma_wait3A_61] : memref<10000x128xf32, #tpu.memory_space<vmem_shared>> -> memref<624x128xf32, #tpu.memory_space<vmem_shared>>
      tpu.wait_dma2 semaphore(%run_scoped3A_52 : memref<!tpu.dma_semaphore, #tpu.memory_space<semaphore_mem>>) src(%dma_wait3A_62 : memref<624x128xf32, #tpu.memory_space<vmem_shared>>) dst(%dma_wait3A_60 : memref<624x128xf32, #tpu.memory_space<hbm>>)
      tpu.yield
    }) : () -> ()
    %eq3A_47 = arith.constant 15 : i32
    %eq3A_48 = arith.cmpi eq, %arg1, %eq3A_47 : i32
    %convert_element_type3A_49 = arith.extui %eq3A_48 : i1 to i32
    %cond3A_50 = arith.constant 0 : i32
    %cond3A_51 = arith.cmpi ne, %convert_element_type3A_49, %cond3A_50 : i32
    scf.if %cond3A_51 {
      "tpu.region"() ({
        %run_scoped3A_52 = tpu.sem_alloc : memref<!tpu.dma_semaphore, #tpu.memory_space<semaphore_mem>>
        %dma_start3A_53 = arith.constant 9984 : i32
        %dma_start3A_54 = arith.constant 0 : i32
        %dma_start3A_55 = tpu.memref_slice %arg5[%arg0, %dma_start3A_53, %dma_start3A_54] : memref<2x10000x128xf32, #tpu.memory_space<hbm>> -> memref<1x16x128xf32, #tpu.memory_space<hbm>>
        %dma_start3A_56 = tpu.memref_squeeze %dma_start3A_55 : memref<1x16x128xf32, #tpu.memory_space<hbm>> -> memref<16x128xf32, #tpu.memory_space<hbm>>
        %dma_start3A_57 = arith.constant 9984 : i32
        %dma_start3A_58 = arith.constant 0 : i32
        %dma_start3A_59 = tpu.memref_slice %arg6[%dma_start3A_57, %dma_start3A_58] : memref<10000x128xf32, #tpu.memory_space<vmem_shared>> -> memref<16x128xf32, #tpu.memory_space<vmem_shared>>
        tpu.enqueue_dma source(%dma_start3A_59 : memref<16x128xf32, #tpu.memory_space<vmem_shared>>) target(%dma_start3A_56 : memref<16x128xf32, #tpu.memory_space<hbm>>) target_semaphore(%run_scoped3A_52 : memref<!tpu.dma_semaphore, #tpu.memory_space<semaphore_mem>>)
        %dma_wait3A_60 = arith.constant 9984 : i32
        %dma_wait3A_61 = arith.constant 0 : i32
        %dma_wait3A_62 = tpu.memref_slice %arg5[%arg0, %dma_wait3A_60, %dma_wait3A_61] : memref<2x10000x128xf32, #tpu.memory_space<hbm>> -> memref<1x16x128xf32, #tpu.memory_space<hbm>>
        %dma_wait3A_63 = tpu.memref_squeeze %dma_wait3A_62 : memref<1x16x128xf32, #tpu.memory_space<hbm>> -> memref<16x128xf32, #tpu.memory_space<hbm>>
        %dma_wait3A_64 = arith.constant 9984 : i32
        %dma_wait3A_65 = arith.constant 0 : i32
        %dma_wait3A_66 = tpu.memref_slice %arg6[%dma_wait3A_64, %dma_wait3A_65] : memref<10000x128xf32, #tpu.memory_space<vmem_shared>> -> memref<16x128xf32, #tpu.memory_space<vmem_shared>>
        tpu.wait_dma2 semaphore(%run_scoped3A_52 : memref<!tpu.dma_semaphore, #tpu.memory_space<semaphore_mem>>) src(%dma_wait3A_66 : memref<16x128xf32, #tpu.memory_space<vmem_shared>>) dst(%dma_wait3A_63 : memref<16x128xf32, #tpu.memory_space<hbm>>)
        tpu.yield
      }) : () -> ()
    } else {
    }
    return
  }
}

module attributes {stable_mosaic.version = 14 : i64} {
  func.func @_phi_body(%arg0: i32, %arg1: memref<16000x128xf32, #tpu.memory_space<vmem>>, %arg2: memref<128x128xbf16, #tpu.memory_space<vmem>>, %arg3: memref<1x128xf32, #tpu.memory_space<vmem>>, %arg4: memref<128x128xbf16, #tpu.memory_space<vmem>>, %arg5: memref<1x128xf32, #tpu.memory_space<vmem>>, %arg6: memref<16000x128xf32, #tpu.memory_space<vmem>>) attributes {dimension_semantics = [#tpu.dimension_semantics<arbitrary>], iteration_bounds = array<i64: 20>, scalar_prefetch = 0 : i64, scratch_operands = 0 : i64, tpu.core_type = #tpu.core_type<tc>, window_params = [{transform_indices = @transform_0, window_bounds = array<i64: 16000, 128>}, {pipeline_mode = #tpu.pipeline_mode<synchronous>, transform_indices = @transform_1, window_bounds = array<i64: 128, 128>}, {pipeline_mode = #tpu.pipeline_mode<synchronous>, transform_indices = @transform_2, window_bounds = array<i64: 1, 128>}, {pipeline_mode = #tpu.pipeline_mode<synchronous>, transform_indices = @transform_3, window_bounds = array<i64: 128, 128>}, {pipeline_mode = #tpu.pipeline_mode<synchronous>, transform_indices = @transform_4, window_bounds = array<i64: 1, 128>}, {transform_indices = @transform_5, window_bounds = array<i64: 16000, 128>}]} {
    %get3A = arith.constant 0 : index
    %get3A_0 = arith.constant 0 : index
    %get3A_1 = vector.load %arg1[%get3A, %get3A_0] : memref<16000x128xf32, #tpu.memory_space<vmem>>, vector<16000x128xf32>
    %convert_element_type3A = arith.truncf %get3A_1 : vector<16000x128xf32> to vector<16000x128xbf16>
    %get3A_2 = arith.constant 0 : index
    %get3A_3 = arith.constant 0 : index
    %get3A_4 = vector.load %arg2[%get3A_2, %get3A_3] : memref<128x128xbf16, #tpu.memory_space<vmem>>, vector<128x128xbf16>
    %dot_general3A = arith.constant dense<0.000000e+00> : vector<16000x128xf32>
    %dot_general3A_5 = tpu.matmul %convert_element_type3A, %get3A_4, %dot_general3A {dimension_numbers = #tpu.dot_dimension_numbers<[1], [0], [0], [1], [0, 0, 1, 1], [], []>, transpose_lhs_hint = false} : vector<16000x128xbf16>, vector<128x128xbf16>, vector<16000x128xf32> -> vector<16000x128xf32>
    %get3A_6 = arith.constant 0 : index
    %get3A_7 = arith.constant 0 : index
    %get3A_8 = vector.load %arg3[%get3A_6, %get3A_7] : memref<1x128xf32, #tpu.memory_space<vmem>>, vector<1x128xf32>
    %add3A = vector.broadcast %get3A_8 : vector<1x128xf32> to vector<16000x128xf32>
    %add3A_9 = arith.addf %dot_general3A_5, %add3A : vector<16000x128xf32>
    %max3A = arith.constant 0.000000e+00 : f32
    %max3A_10 = vector.broadcast %max3A : f32 to vector<16000x128xf32>
    %max3A_11 = arith.maximumf %add3A_9, %max3A_10 : vector<16000x128xf32>
    %convert_element_type3A_12 = arith.truncf %max3A_11 : vector<16000x128xf32> to vector<16000x128xbf16>
    %get3A_13 = arith.constant 0 : index
    %get3A_14 = arith.constant 0 : index
    %get3A_15 = vector.load %arg4[%get3A_13, %get3A_14] : memref<128x128xbf16, #tpu.memory_space<vmem>>, vector<128x128xbf16>
    %dot_general3A_16 = arith.constant dense<0.000000e+00> : vector<16000x128xf32>
    %dot_general3A_17 = tpu.matmul %convert_element_type3A_12, %get3A_15, %dot_general3A_16 {dimension_numbers = #tpu.dot_dimension_numbers<[1], [0], [0], [1], [0, 0, 1, 1], [], []>, transpose_lhs_hint = false} : vector<16000x128xbf16>, vector<128x128xbf16>, vector<16000x128xf32> -> vector<16000x128xf32>
    %get3A_18 = arith.constant 0 : index
    %get3A_19 = arith.constant 0 : index
    %get3A_20 = vector.load %arg5[%get3A_18, %get3A_19] : memref<1x128xf32, #tpu.memory_space<vmem>>, vector<1x128xf32>
    %add3A_21 = vector.broadcast %get3A_20 : vector<1x128xf32> to vector<16000x128xf32>
    %add3A_22 = arith.addf %dot_general3A_17, %add3A_21 : vector<16000x128xf32>
    %swap3A = arith.constant 0 : index
    %swap3A_23 = arith.constant 0 : index
    %swap3A_24 = vector.load %arg6[%swap3A, %swap3A_23] : memref<16000x128xf32, #tpu.memory_space<vmem>>, vector<16000x128xf32>
    tpu.vector_store %arg6[%swap3A, %swap3A_23], %add3A_22 {strides = array<i32>} : memref<16000x128xf32, #tpu.memory_space<vmem>>, vector<16000x128xf32>,
    return
  }
  func.func @transform_0(%arg0: i32) -> (i32, i32) {
    %c0_i32 = arith.constant 0 : i32
    %c0_i32_0 = arith.constant 0 : i32
    return %arg0, %c0_i32 : i32, i32
  }
  func.func @transform_1(%arg0: i32) -> (i32, i32) {
    %c0_i32 = arith.constant 0 : i32
    %c0_i32_0 = arith.constant 0 : i32
    %c0_i32_1 = arith.constant 0 : i32
    return %c0_i32, %c0_i32_0 : i32, i32
  }
  func.func @transform_2(%arg0: i32) -> (i32, i32) {
    %c0_i32 = arith.constant 0 : i32
    %c0_i32_0 = arith.constant 0 : i32
    %c0_i32_1 = arith.constant 0 : i32
    return %c0_i32, %c0_i32_0 : i32, i32
  }
  func.func @transform_3(%arg0: i32) -> (i32, i32) {
    %c0_i32 = arith.constant 0 : i32
    %c0_i32_0 = arith.constant 0 : i32
    %c0_i32_1 = arith.constant 0 : i32
    return %c0_i32, %c0_i32_0 : i32, i32
  }
  func.func @transform_4(%arg0: i32) -> (i32, i32) {
    %c0_i32 = arith.constant 0 : i32
    %c0_i32_0 = arith.constant 0 : i32
    %c0_i32_1 = arith.constant 0 : i32
    return %c0_i32, %c0_i32_0 : i32, i32
  }
  func.func @transform_5(%arg0: i32) -> (i32, i32) {
    %c0_i32 = arith.constant 0 : i32
    %c0_i32_0 = arith.constant 0 : i32
    return %arg0, %c0_i32 : i32, i32
  }
}

module attributes {stable_mosaic.version = 14 : i64} {
  func.func @_rho_body(%arg0: i32, %arg1: memref<2x1000x128xf32, #tpu.memory_space<vmem>>, %arg2: memref<128x128xbf16, #tpu.memory_space<vmem>>, %arg3: memref<1x128xf32, #tpu.memory_space<vmem>>, %arg4: memref<128x128xbf16, #tpu.memory_space<vmem>>, %arg5: memref<1x128xf32, #tpu.memory_space<vmem>>, %arg6: memref<1000x128xf32, #tpu.memory_space<vmem>>) attributes {dimension_semantics = [#tpu.dimension_semantics<arbitrary>], iteration_bounds = array<i64: 10>, scalar_prefetch = 0 : i64, scratch_operands = 0 : i64, tpu.core_type = #tpu.core_type<tc>, window_params = [{transform_indices = @transform_0, window_bounds = array<i64: 2, 1000, 128>}, {pipeline_mode = #tpu.pipeline_mode<synchronous>, transform_indices = @transform_1, window_bounds = array<i64: 128, 128>}, {pipeline_mode = #tpu.pipeline_mode<synchronous>, transform_indices = @transform_2, window_bounds = array<i64: 1, 128>}, {pipeline_mode = #tpu.pipeline_mode<synchronous>, transform_indices = @transform_3, window_bounds = array<i64: 128, 128>}, {pipeline_mode = #tpu.pipeline_mode<synchronous>, transform_indices = @transform_4, window_bounds = array<i64: 1, 128>}, {transform_indices = @transform_5, window_bounds = array<i64: 1000, 128>}]} {
    %get3A = arith.constant 0 : index
    %get3A_0 = arith.constant 0 : index
    %get3A_1 = arith.constant 0 : index
    %get3A_2 = vector.load %arg1[%get3A, %get3A_0, %get3A_1] : memref<2x1000x128xf32, #tpu.memory_space<vmem>>, vector<1x1000x128xf32>
    %get3A_3 = vector.shape_cast %get3A_2 : vector<1x1000x128xf32> to vector<1000x128xf32>
    %get3A_4 = arith.constant 1 : index
    %get3A_5 = arith.constant 0 : index
    %get3A_6 = arith.constant 0 : index
    %get3A_7 = vector.load %arg1[%get3A_4, %get3A_5, %get3A_6] : memref<2x1000x128xf32, #tpu.memory_space<vmem>>, vector<1x1000x128xf32>
    %get3A_8 = vector.shape_cast %get3A_7 : vector<1x1000x128xf32> to vector<1000x128xf32>
    %add3A = arith.addf %get3A_3, %get3A_8 : vector<1000x128xf32>
    %convert_element_type3A = arith.truncf %add3A : vector<1000x128xf32> to vector<1000x128xbf16>
    %get3A_9 = arith.constant 0 : index
    %get3A_10 = arith.constant 0 : index
    %get3A_11 = vector.load %arg2[%get3A_9, %get3A_10] : memref<128x128xbf16, #tpu.memory_space<vmem>>, vector<128x128xbf16>
    %dot_general3A = arith.constant dense<0.000000e+00> : vector<1000x128xf32>
    %dot_general3A_12 = tpu.matmul %convert_element_type3A, %get3A_11, %dot_general3A {dimension_numbers = #tpu.dot_dimension_numbers<[1], [0], [0], [1], [0, 0, 1, 1], [], []>, transpose_lhs_hint = false} : vector<1000x128xbf16>, vector<128x128xbf16>, vector<1000x128xf32> -> vector<1000x128xf32>
    %get3A_13 = arith.constant 0 : index
    %get3A_14 = arith.constant 0 : index
    %get3A_15 = vector.load %arg3[%get3A_13, %get3A_14] : memref<1x128xf32, #tpu.memory_space<vmem>>, vector<1x128xf32>
    %add3A_16 = vector.broadcast %get3A_15 : vector<1x128xf32> to vector<1000x128xf32>
    %add3A_17 = arith.addf %dot_general3A_12, %add3A_16 : vector<1000x128xf32>
    %max3A = arith.constant 0.000000e+00 : f32
    %max3A_18 = vector.broadcast %max3A : f32 to vector<1000x128xf32>
    %max3A_19 = arith.maximumf %add3A_17, %max3A_18 : vector<1000x128xf32>
    %convert_element_type3A_20 = arith.truncf %max3A_19 : vector<1000x128xf32> to vector<1000x128xbf16>
    %get3A_21 = arith.constant 0 : index
    %get3A_22 = arith.constant 0 : index
    %get3A_23 = vector.load %arg4[%get3A_21, %get3A_22] : memref<128x128xbf16, #tpu.memory_space<vmem>>, vector<128x128xbf16>
    %dot_general3A_24 = arith.constant dense<0.000000e+00> : vector<1000x128xf32>
    %dot_general3A_25 = tpu.matmul %convert_element_type3A_20, %get3A_23, %dot_general3A_24 {dimension_numbers = #tpu.dot_dimension_numbers<[1], [0], [0], [1], [0, 0, 1, 1], [], []>, transpose_lhs_hint = false} : vector<1000x128xbf16>, vector<128x128xbf16>, vector<1000x128xf32> -> vector<1000x128xf32>
    %get3A_26 = arith.constant 0 : index
    %get3A_27 = arith.constant 0 : index
    %get3A_28 = vector.load %arg5[%get3A_26, %get3A_27] : memref<1x128xf32, #tpu.memory_space<vmem>>, vector<1x128xf32>
    %add3A_29 = vector.broadcast %get3A_28 : vector<1x128xf32> to vector<1000x128xf32>
    %add3A_30 = arith.addf %dot_general3A_25, %add3A_29 : vector<1000x128xf32>
    %swap3A = arith.constant 0 : index
    %swap3A_31 = arith.constant 0 : index
    %swap3A_32 = vector.load %arg6[%swap3A, %swap3A_31] : memref<1000x128xf32, #tpu.memory_space<vmem>>, vector<1000x128xf32>
    tpu.vector_store %arg6[%swap3A, %swap3A_31], %add3A_30 {strides = array<i32>} : memref<1000x128xf32, #tpu.memory_space<vmem>>, vector<1000x128xf32>,
    return
  }
  func.func @transform_0(%arg0: i32) -> (i32, i32, i32) {
    %c0_i32 = arith.constant 0 : i32
    %c0_i32_0 = arith.constant 0 : i32
    %c0_i32_1 = arith.constant 0 : i32
    return %c0_i32, %arg0, %c0_i32_0 : i32, i32, i32
  }
  func.func @transform_1(%arg0: i32) -> (i32, i32) {
    %c0_i32 = arith.constant 0 : i32
    %c0_i32_0 = arith.constant 0 : i32
    %c0_i32_1 = arith.constant 0 : i32
    return %c0_i32, %c0_i32_0 : i32, i32
  }
  func.func @transform_2(%arg0: i32) -> (i32, i32) {
    %c0_i32 = arith.constant 0 : i32
    %c0_i32_0 = arith.constant 0 : i32
    %c0_i32_1 = arith.constant 0 : i32
    return %c0_i32, %c0_i32_0 : i32, i32
  }
  func.func @transform_3(%arg0: i32) -> (i32, i32) {
    %c0_i32 = arith.constant 0 : i32
    %c0_i32_0 = arith.constant 0 : i32
    %c0_i32_1 = arith.constant 0 : i32
    return %c0_i32, %c0_i32_0 : i32, i32
  }
  func.func @transform_4(%arg0: i32) -> (i32, i32) {
    %c0_i32 = arith.constant 0 : i32
    %c0_i32_0 = arith.constant 0 : i32
    %c0_i32_1 = arith.constant 0 : i32
    return %c0_i32, %c0_i32_0 : i32, i32
  }
  func.func @transform_5(%arg0: i32) -> (i32, i32) {
    %c0_i32 = arith.constant 0 : i32
    %c0_i32_0 = arith.constant 0 : i32
    return %arg0, %c0_i32 : i32, i32
  }
}

</mosaic_0001>

<sc_bundles>
// kernel: kernel.5.cloned.1.call-start
scs
__scs_entry_jumppad:
0x0: {  	(pc) =	sbr.rel $0x88, $3  }
0x1: {  	(tag) =	ssettag $0x0;
	lr =	simm.s32 $0x1  }
0x2: {  	[smem:$0x3F97] =	sst lr;
	_ =	strace $0xD0000000  }
0x3: {  	_ = 	snop  }
0x4: {  	_ = 	snop  }
0x5: {  	_ = 	snop  }
0x6: {  	_ = 	snop  }
0x7: {  	_ = 	snop  }
__scs_overlays_trampoline_lowered:
0x8: {  	[smem:$0x3FA6] =	sst s0  }
0x9: {  	[smem:$0x3FA7] =	sst s1  }
0xa: {  	[smem:$0x3FA8] =	sst s2  }
0xb: {  	[smem:$0x3FA9] =	sst s3  }
0xc: {  	[smem:$0x3FAA] =	sst s4  }
0xd: {  	[smem:$0x3FAB] =	sst s5  }
0xe: {  	[smem:$0x3FAC] =	sst s6  }
0xf: {  	[smem:$0x3FAD] =	sst s7  }
0x10: {  	[smem:$0x3FAE] =	sst s8  }
0x11: {  	[smem:$0x3FAF] =	sst s9;
	s0 =	simm.s32 @!p0 $0x0  }
0x12: {  	s1 =	sld [smem:$0x3F95];
	s0 =	simm.s32 @p0 $0x1  }
0x13: {  	[smem:$0x3FB0] =	sst s0;
	s0 =	simm.s32 @!p1 $0x0  }
0x14: {  	s2 =	sld [smem:$0x3F94];
	s0 =	simm.s32 @p1 $0x1  }
0x15: {  	[smem:$0x3FB1] =	sst s0;
	s0 =	simm.s32 @!p2 $0x0  }
0x16: {  	s3 =	sld [smem:$0x3FDB];
	s0 =	simm.s32 @p2 $0x1  }
0x17: {  	s4 =	simm.s32 $0x1BF5;
	[smem:$0x3FB3] =	sst s0  }
0x18: {  	s0 =	sld [smem:$0x3F96];
	_ =	swait.ge [sflag:s4], $0x0  }
0x19: {  	s7 =	sld [smem:$0x3F97]  }
0x1a: {  	s8 =	sadd.s32 $0xFFFFE003, lr  }
0x1b: {  	s9 =	sadd.s32 $0xFFFFFEF7, lr;
	s5 =	simm.s32 $0xFFFFFFFF;
	p2 =	slt.u32 s8, $0xFFFFF086  }
0x1c: {  	p1 =	slt.u32 s9, $0xF7A;
	s5 =	simm.s32 @!p2 $0x0  }
0x1d: {  	s5 =	simm.s32 @p1 $0x1;
	p0 =	seq.s32 s7, s2  }
0x1e: {  	s7 =	smul.u32 @!p0 $0xF7A, s2;
	p2 =	seq.s32 @!p0 s5, $0x0  }
0x1f: {  	s9 =	smul.u32 $0xF7A, s1;
	s8 =	simm.s32 @!p0 $0x1BF5;
	p2 =	por !p2, p0  }
0x20: {  	[sflag:s8] =	ssyncset.s32 @!p0 $0xFFFFF086;
	s6 =	sadd.s32 @!p0 s3, s7;
	s7 =	simm.s32 @!p0 $0x108  }
0x21: {  	s3 =	sadd.s32 s3, s9;
	s6 =	sadd.s32 @!p0 $0x88, s6;
	s7 =	simm.s32 @p2 $0x1082  }
0x22: {  	[simem:s7], [sflag:s8] =	dma.local @!p0 [hbm:s6], $0xF7A  }
0x23: {  	s9 =	sor.u32 $0xD0000000, s2;
	s6 =	simm.s32 $0x108;
	_ =	swait.ge @!p0 [sflag:s8], $0x0  }
0x24: {  	s3 =	sadd.s32 $0x88, s3;
	s6 =	simm.s32 @!p1 $0x1082;
	[sflag:s4] =	ssyncset.s32 $0xFFFFF086  }
0x25: {  	[simem:s6], [sflag:s4] =	dma.local [hbm:s3], $0xF7A  }
0x26: {  	[smem:$0x3F97] =	sst s1;
	(tag) =	ssettag s2;
	_ =	strace s9  }
0x27: {  	s1 =	sld [smem:$0x3FA7]  }
0x28: {  	s2 =	sld [smem:$0x3FA8]  }
0x29: {  	s4 =	sld [smem:$0x3FAA]  }
0x2a: {  	p0 =	seq.s32 s5, $0x0;
	s5 =	sld [smem:$0x3FAB]  }
0x2b: {  	s6 =	sld [smem:$0x3FAC]  }
0x2c: {  	s7 =	sld [smem:$0x3FAD]  }
0x2d: {  	s3 =	simm.s32 $0x108;
	s8 =	sld [smem:$0x3FAE]  }
0x2e: {  	s3 =	simm.s32 @!p0 $0x1082;
	s9 =	sld [smem:$0x3FAF]  }
0x2f: {  	lr =	sadd.s32 s0, s3;
	s0 =	sld [smem:$0x3FA6]  }
0x30: {  	s3 =	sld [smem:$0x3FA9]  }
0x31: {  	[smem:$0x3FB2] =	sst s10  }
0x32: {  	s10 =	sld [smem:$0x3FB0];
	_ =	sdelay $0x3  }
0x33: {  	p0 =	seq.s32 s10, $0x1;
	s10 =	sld [smem:$0x3FB2];
	_ =	sdelay $0x3  }
0x34: {  	[smem:$0x3FB2] =	sst s10  }
0x35: {  	s10 =	sld [smem:$0x3FB1];
	_ =	sdelay $0x3  }
0x36: {  	p1 =	seq.s32 s10, $0x1;
	s10 =	sld [smem:$0x3FB2];
	_ =	sdelay $0x3  }
0x37: {  	[smem:$0x3FB2] =	sst s10  }
0x38: {  	s10 =	sld [smem:$0x3FB3]  }
0x39: {  	_ = 	snop;
	(pc) =	sbr.ind lr, $3  }
0x3a: {  	_ = 	snop  }
0x3b: {  	_ = 	snop  }
0x3c: {  	p2 =	seq.s32 s10, $0x1;
	s10 =	sld [smem:$0x3FB2]  }
0x3d: {  	_ =	shalt  }
0x3e: {  	_ =	shalt  }
0x3f: {  	_ =	shalt  }
0x40: {  	_ =	shalt  }
0x41: {  	_ =	shalt  }
0x42: {  	_ =	shalt  }
0x43: {  	_ =	shalt  }
0x44: {  	_ =	shalt  }
0x45: {  	_ =	shalt  }
0x46: {  	_ =	shalt  }
0x47: {  	_ =	shalt  }
0x48: {  	_ =	shalt  }
0x49: {  	_ =	shalt  }
0x4a: {  	_ =	shalt  }
0x4b: {  	_ =	shalt  }
0x4c: {  	_ =	shalt  }
0x4d: {  	_ =	shalt  }
0x4e: {  	_ =	shalt  }
0x4f: {  	_ =	shalt  }
0x50: {  	_ =	shalt  }
0x51: {  	_ =	shalt  }
0x52: {  	_ =	shalt  }
0x53: {  	_ =	shalt  }
0x54: {  	_ =	shalt  }
0x55: {  	_ =	shalt  }
0x56: {  	_ =	shalt  }
0x57: {  	_ =	shalt  }
0x58: {  	_ =	shalt  }
0x59: {  	_ =	shalt  }
0x5a: {  	_ =	shalt  }
0x5b: {  	_ =	shalt  }
0x5c: {  	_ =	shalt  }
0x5d: {  	_ =	shalt  }
0x5e: {  	_ =	shalt  }
0x5f: {  	_ =	shalt  }
0x60: {  	_ =	shalt  }
0x61: {  	_ =	shalt  }
0x62: {  	_ =	shalt  }
0x63: {  	_ =	shalt  }
0x64: {  	_ =	shalt  }
0x65: {  	_ =	shalt  }
0x66: {  	_ =	shalt  }
0x67: {  	_ =	shalt  }
0x68: {  	_ =	shalt  }
0x69: {  	_ =	shalt  }
0x6a: {  	_ =	shalt  }
0x6b: {  	_ =	shalt  }
0x6c: {  	_ =	shalt  }
0x6d: {  	_ =	shalt  }
0x6e: {  	_ =	shalt  }
0x6f: {  	_ =	shalt  }
0x70: {  	_ =	shalt  }
0x71: {  	_ =	shalt  }
0x72: {  	_ =	shalt  }
0x73: {  	_ =	shalt  }
0x74: {  	_ =	shalt  }
0x75: {  	_ =	shalt  }
0x76: {  	_ =	shalt  }
0x77: {  	_ =	shalt  }
0x78: {  	_ =	shalt  }
0x79: {  	_ =	shalt  }
0x7a: {  	_ =	shalt  }
0x7b: {  	_ =	shalt  }
0x7c: {  	_ =	shalt  }
0x7d: {  	_ =	shalt  }
0x7e: {  	_ =	shalt  }
0x7f: {  	_ =	shalt  }
0x80: {  	_ =	shalt  }
0x81: {  	_ =	shalt  }
0x82: {  	_ =	shalt  }
0x83: {  	_ =	shalt  }
0x84: {  	_ =	shalt  }
0x85: {  	_ =	shalt  }
0x86: {  	_ =	shalt  }
0x87: {  	_ =	shalt  }
.Lfunc_end0:
.L_simem_size_0:
called_computation_lowered:
.L_overlay_start_0:
0x88: {  	s2 =	sld [smem:$0x3FD9]  }
0x89: {  	s3 =	sld [smem:$0x3FFE];
	_ =	sdelay $0x1  }
0x8a: {  	s1 =	srdreg.scid  }
0x8b: {  	s0 =	sand.u32 $0x1, s1  }
0x8c: {  	s17 =	sshll.u32 s0, $0xA;
	s2 =	sadd.s32 s3, s2  }
0x8d: {  	s2 =	sadd.s32 s2, s17  }
0x8e: {  	[smem:$0x3FBE] =	sst s2  }
0x8f: {  	_ = 	snop  }
0x90: {  	s2 =	sld [smem:$0x3FD0];
	(tm) =	ssettm $0x1  }
0x91: {  	s18 =	sld [smem:$0x3FFB];
	_ =	sdelay $0x3  }
0x92: {  	_ =	strace s18  }
0x93: {  	s3 =	sld [smem:$0x3FFC];
	_ =	sdelay $0x3  }
0x94: {  	_ =	strace s3  }
0x95: {  	s3 =	sld [smem:$0x3FFD];
	_ =	sdelay $0x3  }
0x96: {  	_ =	strace s3  }
0x97: {  	_ =	strace $0x8FFFFFFF  }
0x98: {  	s19 =	sld [smem:$0x3FDB];
	_ =	sdelay $0x1  }
0x99: {  	s4 =	simm.s32 $_scs_section_size  }
0x9a: {  	s5 =	simm.s32 $_size__tile_overlayer_lowered;
	s6 =	simm.s32 $_tile_overlayer_lowered  }
0x9b: {  	s22 =	simm.s32 $0x1BFF;
	s21 =	sshll.u32 s6, $0x1;
	s3 =	sadd.s32 s4, s19  }
0x9c: {  	s7 =	simm.s32 $0x0;
	s20 =	sshll.u32 s5, $0x1;
	s5 =	sadd.s32 s21, s3  }
0x9d: {  	[timem:s7], [sflag:s22] =	dma.local [hbm:s5], s20  }
0x9e: {  	_ =	swait.ge [sflag:s22], s20  }
0x9f: {  	s4 =	ssub.s32 $0x0, s20;
	[sflag:s22] =	ssyncset.done $0x0  }
0xa0: {  	[sflag:s22] =	ssyncadd.s32 s4;
	_ =	sdelay $0x1  }
0xa1: {  	s23 =	simm.s32 $0x1B8B  }
0xa2: {  	_ =	swait.ge [sflag:s23], $0x1  }
0xa3: {  	[sflag:s23] =	ssyncset.done $0x0  }
0xa4: {  	s25 =	simm.s32 $0x1B8E;
	s24 =	sld [smem:$0x3FFE];
	[sflag:s23] =	ssyncadd.s32 $0xFFFFFFFF  }
0xa5: {  	s26 =	simm.s32 $execute0_lowered;
	[smem:$0x3FD2] =	sst s25  }
0xa6: {  	s5 =	sshll.u32 s26, $0x1;
	_ =	strace $0x80000046;
	[dreg:$0x1] =	wrdreg $0xFFFFFFFF  }
0xa7: {  	s28 =	simm.s32 $_size_execute0_lowered;
	s3 =	sadd.s32 s3, s5;
	[dreg:$0x0] =	wrdreg $0x0  }
0xa8: {  	s5 =	sshll.u32 s28, $0x1;
	[dreg:$0x2] =	wrdreg s3  }
0xa9: {  	[dreg:$0x3] =	wrdreg s5  }
0xaa: {  	[dreg:$0x4] =	wrdreg $0xC0  }
0xab: {  	_ =	task [dreg:s7], $0x5FFFF  }
0xac: {  	[dreg:$0x1] =	wrdreg $0xFFFFFFFF  }
0xad: {  	[dreg:$0x0] =	wrdreg $0x60  }
0xae: {  	[dreg:$0x2] =	wrdreg s24  }
0xaf: {  	[dreg:$0x3] =	wrdreg s2  }
0xb0: {  	[dreg:$0x4] =	wrdreg $0x0  }
0xb1: {  	[dreg:$0x5] =	wrdreg $0x9  }
0xb2: {  	_ =	task.clear_ibuf [dreg:s7], $0x6FFFF;
	_ =	strace $0x90000046  }
0xb3: {  	s29 =	simm.s32 $0x9;
	_ =	strace $0x80000048  }
0xb4: {  	_ =	swait.ge [sflag:s29], $0x1  }
0xb5: {  	[sflag:s29] =	ssyncadd.s32 $0xFFFFFFFF  }
0xb6: {  	_ =	strace $0x90000048  }
0xb7: {  	_ =	sfence  }
0xb8: {  	s30 =	sld [smem:$0x0];
	_ =	sdelay $0x2  }
0xb9: {  	s31 =	sshll.u32 s1, $0xD;
	s1 =	sshrl.u32 s1, $0x2  }
0xba: {  	s3 =	sand.u32 $0x4000, s31;
	s1 =	sadd.s32 s1, s30  }
0xbb: {  	s0 =	sor.u32 s3, s0;
	s1 =	sshll.u32 s1, $0x11  }
0xbc: {  	s0 =	sor.u32 s1, s0  }
0xbd: {  	s0 =	sadd.s32 $0x8F2B, s0  }
0xbe: {  	[sflag:s0] =	ssyncadd.remote.s32 $0x1  }
0xbf: {  	_ =	sfence.sel $0xFFFF  }
0xc0: {  	[dreg:$0x0] =	wrdreg $0xFFFFFFFF;
	(pc) =	sbr.abs _section_cstart, $3  }
0xc1: {  	[dreg:$0x1] =	wrdreg $0xFFFFFFFF  }
0xc2: {  	_ =	task.clear_ibuf [dreg:s7], $0x2FFFF;
	_ =	strace $0x9FFFFFFF  }
0xc3: {  	(tm) =	ssettm $0x7FFFFFFF  }
tec
execute0_lowered:
.L_overlay_start_1:
0x0: {  	(tag) =	ssettag $0x1  }
0x1: {  	s0 =	rddreg [dreg:$0x0]  }
0x2: {  	s2 =	rddreg [dreg:$0x1]  }
0x3: {  	s1 =	rddreg [dreg:$0x2]  }
0x4: {  	s4 =	srdreg.scid;
	s3 =	simm.s32 $0x0;
	s18 =	stileid.u32  }
0x5: {  	s19 =	simm.s32 $0x4;
	s28 =	simm.s32 $0x3;
	s20 =	simm.s32 $0x0  }
0x6: {  	s12 =	sand.u32 $0x1, s4;
	[smem:$0x7FF] =	sst s3;
	s5 =	smul.u32 $0x4E000, s18  }
0x7: {  	s15 =	sadd.s32 $0x11200, s0;
	s13 =	smul.u32 $0x13800, s18;
	s23 =	sshll.u32 s18, $0x6  }
0x8: {  	s30 =	smul.u32 $0x27100, s18;
	p0 =	sne.s32 s18, $0xF;
	s4 =	sshll.u32 s12, $0x4  }
0x9: {  	_ =	strace $0x80000047;
	s21 =	ssub.s32 $0x2, s12;
	s16 =	smul.u32 $0x138800, s12  }
0xa: {  	s29 =	smul.u32 $0x271000, s12;
	s7 =	sor.u32 s18, s4;
	s6 =	sshrl.u32 s21, $0x1  }
0xb: {  	s5 =	sshrl.u32 s5, $0x2;
	s22 =	sshrl.u32 s13, $0x3;
	s4 =	sshll.u32 s7, $0xB  }
0xc: {  	s14 =	ssub.s32 s21, s6;
	s17 =	sadd.s32 s5, s1;
	s9 =	smul.u32 $0x138800, s7  }
0xd: {  	s5 =	sor.u32 $0x1C04, s23;
	s6 =	sadd.s32 $0x138000, s1;
	s10 =	smul.u32 $0x27100, s7  }
0xe: {  	s7 =	sadd.s32 $0x27000, s2;
	s25 =	sadd.s32 s13, s16;
	s26 =	sshrl.u32 s16, $0x3  }
0xf: {  	s31 =	sadd.s32 s29, s15;
	s21 =	simm.s32 $0x17880;
	s23 =	simm.s32 $0x1C880  }
0x10: {  	s8 =	sadd.s32 s4, s0;
	s0 =	sadd.s32 $0x4F3200, s0;
	s4 =	sadd.s32 s2, s22  }
0x11: {  	s14 =	smax.u32 s14, $0x1;
	s18 =	sshrl.u32 s17, $0x3;
	s22 =	simm.s32 $0x1A080  }
0x12: {  	[dreg:$0x4] =	wrdreg s4;
	s24 =	sshrl.u32 s9, $0x3;
	s9 =	sadd.s32 s15, s10  }
0x13: {  	s8 =	sadd.s32 $0x1200, s8;
	s2 =	sadd.s32 s15, s24;
	s15 =	sadd.s32 $0x26700, s9  }
0x14: {  	s10 =	sadd.s32 $0x500, s2;
	s11 =	sadd.s32 $0xA00, s2;
	s2 =	sshrl.u32 s25, $0x3  }
0x15: {  	s16 =	sadd.s32 $0x26C00, s9;
	s12 =	sadd.s32 s0, s2;
	s0 =	sadd.s32 s0, s26  }
0x16: {  	s24 =	simm.s32 $0x1;
	s13 =	sadd.s32 $0x27000, s0;
	s0 =	sadd.s32 s30, s31  }
0x17: {  	s25 =	simm.s32 $0x50;
	s26 =	simm.s32 $0x2;
	s0 =	sadd.s32 $0x1900, s0  }
.LBB2_1:
0x18: {  	s2 =	rddreg [dreg:$0x4]  }
0x19: {  	[spmem:s18], [sflag:s5] =	dma.local [hbm:s2], $0x2700  }
0x1a: {  	_ =	swait.ge [sflag:s19], $0x2700  }
0x1b: {  	[sflag:s19] =	ssyncset.done $0x0  }
0x1c: {  	s29 =	sshrl.u32 @!p0 s6, $0x3;
	s17 =	simm.s32 @!p0 $0x4;
	[sflag:s19] =	ssyncadd.s32 $0xFFFFD900  }
0x1d: {  	[spmem:s29], [sflag:s5] =	dma.local @!p0 [hbm:s7], $0x100  }
0x1e: {  	_ =	swait.ge @!p0 [sflag:s17], $0x100  }
0x1f: {  	[sflag:s17] =	ssyncset.done @!p0 $0x0  }
0x20: {  	[sflag:s17] =	ssyncadd.s32 @!p0 $0xFFFFFF00;
	s17 =	simm.s32 $0x13880  }
0x21: {  	[tilespmem:s17], [sflag:$0x4] =	stream.linear.gather [hbm4b:s8+s3], $0x3E80, $0x38;
	[tilespmem:$0x1F080] =	vst v63  }
0x22: {  	_ =	swait.ge [sflag:s19], $0x3E80  }
0x23: {  	[sflag:s19] =	ssyncset.done $0x0  }
0x24: {  	[sflag:s19] =	ssyncadd.s32 $0xFFFFC180  }
0x25: {  	[bflag:$0x0] =	sbarrier.arrive $0xFFFF  }
0x26: {  	[tilespmem:s21], [sflag:$0x1] =	stream.linear.gather [hbm4b:s9+s3], $0x2800, $0x38;
	[tilespmem:$0x1F080] =	vst v63  }
0x27: {  	_ = 	snop  }
0x28: {  	[tilespmem:s22], [sflag:$0x2] =	stream.linear.gather [hbm4b:s10+s3], $0x2800, $0x38;
	[tilespmem:$0x1F080] =	vst v63  }
0x29: {  	_ = 	snop  }
0x2a: {  	[tilespmem:s23], [sflag:$0x3] =	stream.linear.gather [hbm4b:s11+s3], $0x2800, $0x38;
	[tilespmem:$0x1F080] =	vst v63  }
0x2b: {  	_ =	swait.ge [sflag:s24], $0x2800  }
0x2c: {  	[sflag:s24] =	ssyncset.done $0x0  }
0x2d: {  	s4 =	simm.s32 $0x13880;
	[sflag:s24] =	ssyncadd.s32 $0xFFFFD800  }
0x2e: {  	[spmem:s1] =	stream.indirect.scatter.add.f32 [tilespmem:s21], [sflag:$0x4], $0x80, s4, s25, $0xb8;
	[tilespmem:$0x1F080] =	vst v63  }
0x2f: {  	_ =	swait.ge [sflag:s19], $0x2800  }
0x30: {  	[sflag:s19] =	ssyncset.done $0x0  }
0x31: {  	s2 =	sadd.s32 $0xFFFFF600, s0;
	[sflag:s19] =	ssyncadd.s32 $0xFFFFD800  }
0x32: {  	[tilespmem:s21], [sflag:$0x1] =	stream.linear.gather [hbm4b:s2+s3], $0x2800, $0x38;
	[tilespmem:$0x1F080] =	vst v63  }
0x33: {  	_ =	swait.ge [sflag:s26], $0x2800  }
0x34: {  	[sflag:s26] =	ssyncset.done $0x0  }
0x35: {  	s4 =	simm.s32 $0x13900;
	[sflag:s26] =	ssyncadd.s32 $0xFFFFD800  }
0x36: {  	[spmem:s1] =	stream.indirect.scatter.add.f32 [tilespmem:s22], [sflag:$0x4], $0x80, s4, s25, $0xb8;
	[tilespmem:$0x1F080] =	vst v63  }
0x37: {  	_ =	swait.ge [sflag:s19], $0x2800  }
0x38: {  	[sflag:s19] =	ssyncset.done $0x0  }
0x39: {  	s2 =	sadd.s32 $0xFFFFFB00, s0;
	[sflag:s19] =	ssyncadd.s32 $0xFFFFD800  }
0x3a: {  	[tilespmem:s22], [sflag:$0x2] =	stream.linear.gather [hbm4b:s2+s3], $0x2800, $0x38;
	[tilespmem:$0x1F080] =	vst v63  }
0x3b: {  	_ =	swait.ge [sflag:s28], $0x2800  }
0x3c: {  	[sflag:s28] =	ssyncset.done $0x0  }
0x3d: {  	s4 =	simm.s32 $0x13980;
	[sflag:s28] =	ssyncadd.s32 $0xFFFFD800  }
0x3e: {  	[spmem:s1] =	stream.indirect.scatter.add.f32 [tilespmem:s23], [sflag:$0x4], $0x80, s4, s25, $0xb8;
	[tilespmem:$0x1F080] =	vst v63  }
0x3f: {  	_ =	swait.ge [sflag:s19], $0x2800  }
0x40: {  	s30 =	simm.s32 $0x600;
	[sflag:s19] =	ssyncset.done $0x0  }
0x41: {  	s31 =	sadd.s32 $0xF00, s0;
	s17 =	smov.u32 s0;
	[sflag:s19] =	ssyncadd.s32 $0xFFFFD800  }
.LBB2_2:
0x42: {  	[tilespmem:s23], [sflag:$0x3] =	stream.linear.gather [hbm4b:s17+s3], $0x2800, $0x38;
	[tilespmem:$0x1F080] =	vst v63  }
0x43: {  	s2 =	smov.u32 s30;
	s17 =	smov.u32 s31  }
0x44: {  	p1 =	sne.s32 s30, $0xEA00;
	s30 =	sadd.s32 $0x600, s30;
	_ =	swait.ge [sflag:s24], $0x2800  }
0x45: {  	s2 =	sshra.s32 s2, $0x2;
	[sflag:s24] =	ssyncset.done $0x0  }
0x46: {  	s4 =	sadd.s32 $0x13880, s2;
	[sflag:s24] =	ssyncadd.s32 $0xFFFFD800  }
0x47: {  	[spmem:s1] =	stream.indirect.scatter.add.f32 [tilespmem:s21], [sflag:$0x4], $0x80, s4, s25, $0xb8;
	[tilespmem:$0x1F080] =	vst v63  }
0x48: {  	_ =	swait.ge [sflag:s19], $0x2800  }
0x49: {  	[sflag:s19] =	ssyncset.done $0x0  }
0x4a: {  	s4 =	sadd.s32 $0xFFFFF600, s31;
	[sflag:s19] =	ssyncadd.s32 $0xFFFFD800  }
0x4b: {  	[tilespmem:s21], [sflag:$0x1] =	stream.linear.gather [hbm4b:s4+s3], $0x2800, $0x38;
	[tilespmem:$0x1F080] =	vst v63  }
0x4c: {  	_ =	swait.ge [sflag:s26], $0x2800  }
0x4d: {  	[sflag:s26] =	ssyncset.done $0x0  }
0x4e: {  	s4 =	sadd.s32 $0x13900, s2;
	[sflag:s26] =	ssyncadd.s32 $0xFFFFD800  }
0x4f: {  	[spmem:s1] =	stream.indirect.scatter.add.f32 [tilespmem:s22], [sflag:$0x4], $0x80, s4, s25, $0xb8;
	[tilespmem:$0x1F080] =	vst v63  }
0x50: {  	_ =	swait.ge [sflag:s19], $0x2800  }
0x51: {  	[sflag:s19] =	ssyncset.done $0x0  }
0x52: {  	s4 =	sadd.s32 $0xFFFFFB00, s31;
	[sflag:s19] =	ssyncadd.s32 $0xFFFFD800  }
0x53: {  	[tilespmem:s22], [sflag:$0x2] =	stream.linear.gather [hbm4b:s4+s3], $0x2800, $0x38;
	[tilespmem:$0x1F080] =	vst v63  }
0x54: {  	_ =	swait.ge [sflag:s28], $0x2800  }
0x55: {  	[sflag:s28] =	ssyncset.done $0x0  }
.Ltmp0:
0x56: {  	s2 =	sadd.s32 $0x13980, s2;
	[sflag:s28] =	ssyncadd.s32 $0xFFFFD800;
	(pc) =	sbr.rel @p1 .LBB2_2-.Ltmp0, $4  }
0x57: {  	[spmem:s1] =	stream.indirect.scatter.add.f32 [tilespmem:s23], [sflag:$0x4], $0x80, s2, s25, $0xb8;
	[tilespmem:$0x1F080] =	vst v63  }
0x58: {  	_ =	swait.ge [sflag:s19], $0x2800  }
0x59: {  	[sflag:s19] =	ssyncset.done $0x0  }
0x5a: {  	s31 =	sadd.s32 $0xF00, s31;
	[sflag:s19] =	ssyncadd.s32 $0xFFFFD800  }
0x5b: {  	[tilespmem:s23], [sflag:$0x3] =	stream.linear.gather [hbm4b:s17+s3], $0x2800, $0x38;
	[tilespmem:$0x1F080] =	vst v63  }
0x5c: {  	_ =	swait.ge [sflag:s24], $0x2800  }
0x5d: {  	[sflag:s24] =	ssyncset.done $0x0  }
0x5e: {  	s2 =	simm.s32 $0x17480;
	[sflag:s24] =	ssyncadd.s32 $0xFFFFD800  }
0x5f: {  	[spmem:s1] =	stream.indirect.scatter.add.f32 [tilespmem:s21], [sflag:$0x4], $0x80, s2, s25, $0xb8;
	[tilespmem:$0x1F080] =	vst v63  }
0x60: {  	_ =	swait.ge [sflag:s19], $0x2800  }
0x61: {  	[sflag:s19] =	ssyncset.done $0x0  }
0x62: {  	[sflag:s19] =	ssyncadd.s32 $0xFFFFD800  }
0x63: {  	[tilespmem:s21], [sflag:$0x1] =	stream.linear.gather [hbm4b:s15+s3], $0x2800, $0x38;
	[tilespmem:$0x1F080] =	vst v63  }
0x64: {  	_ =	swait.ge [sflag:s26], $0x2800  }
0x65: {  	[sflag:s26] =	ssyncset.done $0x0  }
0x66: {  	s4 =	simm.s32 $0x17500;
	[sflag:s26] =	ssyncadd.s32 $0xFFFFD800  }
0x67: {  	[spmem:s1] =	stream.indirect.scatter.add.f32 [tilespmem:s22], [sflag:$0x4], $0x80, s4, s25, $0xb8;
	[tilespmem:$0x1F080] =	vst v63  }
0x68: {  	_ =	swait.ge [sflag:s19], $0x2800  }
0x69: {  	[sflag:s19] =	ssyncset.done $0x0  }
0x6a: {  	[sflag:s19] =	ssyncadd.s32 $0xFFFFD800  }
0x6b: {  	[tilespmem:s22], [sflag:$0x2] =	stream.linear.gather [hbm4b:s16+s3], $0x2800, $0x38;
	[tilespmem:$0x1F080] =	vst v63  }
0x6c: {  	_ =	swait.ge [sflag:s28], $0x2800  }
0x6d: {  	[sflag:s28] =	ssyncset.done $0x0  }
0x6e: {  	s17 =	simm.s32 $0x17580;
	[sflag:s28] =	ssyncadd.s32 $0xFFFFD800  }
0x6f: {  	[spmem:s1] =	stream.indirect.scatter.add.f32 [tilespmem:s23], [sflag:$0x4], $0x80, s17, s25, $0xb8;
	[tilespmem:$0x1F080] =	vst v63  }
0x70: {  	_ =	swait.ge [sflag:s19], $0x2800  }
0x71: {  	[sflag:s19] =	ssyncset.done $0x0  }
0x72: {  	[sflag:s19] =	ssyncadd.s32 $0xFFFFD800  }
0x73: {  	_ =	swait.ge [sflag:s24], $0x2800  }
0x74: {  	[sflag:s24] =	ssyncset.done $0x0  }
0x75: {  	s30 =	simm.s32 $0x17600;
	[sflag:s24] =	ssyncadd.s32 $0xFFFFD800  }
0x76: {  	[spmem:s1] =	stream.indirect.scatter.add.f32 [tilespmem:s21], [sflag:$0x4], $0x80, s30, s25, $0xb8;
	[tilespmem:$0x1F080] =	vst v63  }
0x77: {  	_ =	swait.ge [sflag:s19], $0x2800  }
0x78: {  	[sflag:s19] =	ssyncset.done $0x0  }
0x79: {  	[sflag:s19] =	ssyncadd.s32 $0xFFFFD800  }
0x7a: {  	_ =	swait.ge [sflag:s26], $0x2800  }
0x7b: {  	[sflag:s26] =	ssyncset.done $0x0  }
0x7c: {  	s31 =	simm.s32 $0x17680;
	[sflag:s26] =	ssyncadd.s32 $0xFFFFD800  }
0x7d: {  	[spmem:s1] =	stream.indirect.scatter.add.f32 [tilespmem:s22], [sflag:$0x4], $0x80, s31, s25, $0xb8;
	[tilespmem:$0x1F080] =	vst v63  }
0x7e: {  	_ =	swait.ge [sflag:s19], $0x2800  }
0x7f: {  	[sflag:s19] =	ssyncset.done $0x0  }
0x80: {  	[sflag:s19] =	ssyncadd.s32 $0xFFFFD800  }
0x81: {  	[bflag:$0x0] =	sbarrier.arrive $0xFFFF  }
0x82: {  	[hbm:s12], [sflag:s5] =	dma.local [spmem:s18], $0x2700  }
0x83: {  	s20 =	sadd.s32 $0x1, s20;
	_ =	swait.ge [sflag:s19], $0x2700  }
0x84: {  	p1 =	sne.s32 s20, s14;
	[sflag:s19] =	ssyncset.done $0x0  }
.Ltmp1:
0x85: {  	s2 =	simm.s32 @!p0 $0x4;
	[sflag:s19] =	ssyncadd.s32 $0xFFFFD900;
	(pc) =	sbr.rel @p1 .LBB2_1-.Ltmp1, $4  }
0x86: {  	[hbm:s13], [sflag:s5] =	dma.local @!p0 [spmem:s29], $0x100  }
0x87: {  	_ =	swait.ge @!p0 [sflag:s2], $0x100  }
0x88: {  	[sflag:s2] =	ssyncset.done @!p0 $0x0  }
0x89: {  	[sflag:s2] =	ssyncadd.s32 @!p0 $0xFFFFFF00  }
0x8a: {  	_ =	sfence.sel $0x180000  }
0x8b: {  	[bflag:$0x0] =	sbarrier.arrive $0xFFFF  }
0x8c: {  	_ =	strace $0x90000047  }
0x8d: {  	s0 =	stileid.u32;
	[bflag:$0x2] =	sbarrier.arrive $0xFFFF  }
0x8e: {  	p0 =	sne.s32 s0, $0x0;
	s0 =	rddreg [dreg:$0x3]  }
0x8f: {  	s0 =	sadd.s32 @!p0 $0x100000, s0  }
0x90: {  	[sflag:s0] =	ssyncadd.tile.s32 @!p0 $0x1;
	_ =	shalt  }
.Lfunc_end2:
_tile_overlayer_lowered:
.L_overlay_start_2:
0x91: {  	(tag) =	ssettag $0x2  }
0x92: {  	s0 =	rddreg [dreg:$0x0];
	s2 =	stileid.u32  }
0x93: {  	s1 =	rddreg [dreg:$0x1];
	p0 =	sne.s32 s2, $0x0  }
0x94: {  	s3 =	rddreg [dreg:$0x2];
	[bflag:$0x3] =	sbarrier.arrive $0xFFFF;
	s2 =	simm.s32 @!p0 $0x1C04  }
0x95: {  	[timem:s3], [sflag:s2] =	dma.local @!p0 [hbm:s0], s1  }
0x96: {  	s0 =	simm.s32 @!p0 $0x4  }
0x97: {  	_ =	swait.ge @!p0 [sflag:s0], s1  }
0x98: {  	s1 =	ssub.s32 @!p0 $0x0, s1;
	[sflag:s0] =	ssyncset.done @!p0 $0x0  }
0x99: {  	[sflag:s0] =	ssyncadd.s32 @!p0 s1  }
0x9a: {  	[bflag:$0x3] =	sbarrier.arrive $0xFFFF  }
0x9b: {  	_ =	shalt  }

</sc_bundles>
